<compile_context>
chip_gen: v7x
topology: tpu7x:2x2x1
jax: 0.10.2.dev20260603
libtpu: 0.0.44.dev20260713+nightly
codegen_flags: <defaults>
</compile_context>

<pallas_src>
import dataclasses
import functools

import jax
import jax.numpy as jnp
from jax import lax
from jax.experimental import pallas as pl
from jax.experimental.pallas import tpu as pltpu
from jax.experimental.pallas import tpu_sc as plsc

_N = 10000
_E = 320000
_P = 100000

_NC = 2
_NS = 16
_NT = _NC * _NS
_W = 4


def _sc_compiler_params():
    cp = pltpu.CompilerParams()
    if "needs_layout_passes" in pltpu.CompilerParams.__dataclass_fields__:
        cp = dataclasses.replace(cp, needs_layout_passes=False)
    return cp



def _mmt_body(x_ref, w_ref, o_ref):
    res = jnp.dot(x_ref[...], w_ref[...], preferred_element_type=jnp.float32)
    o_ref[...] = res.T


def _tc_matmul_t(x, w, blk=10000):
    n, k = x.shape
    h = w.shape[1]
    return pl.pallas_call(
        _mmt_body,
        grid=(n // blk,),
        in_specs=[pl.BlockSpec((blk, k), lambda i: (i, 0)),
                  pl.BlockSpec((k, h), lambda i: (0, 0))],
        out_specs=pl.BlockSpec((h, blk), lambda i: (0, i)),
        out_shape=jax.ShapeDtypeStruct((h, n), jnp.float32),
    )(x, w)


def _comb_body(transpose_out, p_ref, b_ref, w_ref, o_ref):
    p = p_ref[0]
    for g in range(1, p_ref.shape[0]):
        p = p + p_ref[g]
    hcur = jnp.maximum(p.T + b_ref[...], 0.0)
    res = jnp.dot(hcur, w_ref[...], preferred_element_type=jnp.float32)
    o_ref[...] = res.T if transpose_out else res


def _tc_combine_relu_matmul(parts, b, w, transpose_out, blk=10000):
    g, d, n = parts.shape
    h = w.shape[1]
    if transpose_out:
        out_specs = pl.BlockSpec((h, blk), lambda i: (0, i))
        out_shape = jax.ShapeDtypeStruct((h, n), jnp.float32)
    else:
        out_specs = pl.BlockSpec((blk, h), lambda i: (i, 0))
        out_shape = jax.ShapeDtypeStruct((n, h), jnp.float32)
    return pl.pallas_call(
        functools.partial(_comb_body, transpose_out),
        grid=(n // blk,),
        in_specs=[pl.BlockSpec((g, d, blk), lambda i: (0, 0, i)),
                  pl.BlockSpec((1, d), lambda i: (0, 0)),
                  pl.BlockSpec((d, h), lambda i: (0, 0))],
        out_specs=out_specs,
        out_shape=out_shape,
    )(parts, b, w)


def _decode_proj_body(p_ref, b_ref, w_ref, bd_ref, oa_ref, ob_ref):
    p = p_ref[0]
    for g in range(1, p_ref.shape[0]):
        p = p + p_ref[g]
    hcur = jnp.maximum(p.T + b_ref[...], 0.0)
    res = jnp.dot(hcur, w_ref[...], preferred_element_type=jnp.float32)
    res = res + bd_ref[...]
    oa_ref[...] = res[:, :1]
    ob_ref[...] = res[:, 1:]


def _tc_decode_proj(parts, b, wcat, bd_vec, blk=10000):
    g, d, n = parts.shape
    return pl.pallas_call(
        _decode_proj_body,
        grid=(n // blk,),
        in_specs=[pl.BlockSpec((g, d, blk), lambda i: (0, 0, i)),
                  pl.BlockSpec((1, d), lambda i: (0, 0)),
                  pl.BlockSpec((d, 2), lambda i: (0, 0)),
                  pl.BlockSpec((1, 2), lambda i: (0, 0))],
        out_specs=[pl.BlockSpec((blk, 1), lambda i: (i, 0)),
                   pl.BlockSpec((blk, 1), lambda i: (i, 0))],
        out_shape=[jax.ShapeDtypeStruct((n, 1), jnp.float32),
                   jax.ShapeDtypeStruct((n, 1), jnp.float32)],
    )(parts, b, wcat, bd_vec)



def _sc_segment_sum(h2t_flat, src, dst, vals, d):
    n = _N
    ns = d // _W
    ng = _NT // ns
    ept = _E // ng
    K = 10000
    nch = ept // K
    nz = _W * n

    mesh = plsc.VectorSubcoreMesh(core_axis_name="c", subcore_axis_name="s")

    @functools.partial(
        pl.kernel,
        out_type=jax.ShapeDtypeStruct((ng * d * n,), jnp.float32),
        mesh=mesh,
        compiler_params=_sc_compiler_params(),
        scratch_types=[
            pltpu.VMEM((K,), jnp.int32),
            pltpu.VMEM((K,), jnp.int32),
            pltpu.VMEM((K,), jnp.float32),
            pltpu.VMEM((nz,), jnp.float32),
            pltpu.VMEM((nz,), jnp.float32),
            pltpu.SemaphoreType.DMA,
        ],
    )
    def seg_kernel(h2t_hbm, src_hbm, dst_hbm, vals_hbm, out_hbm,
                   src_v, dst_v, vals_v, tab_v, acc_v, sem):
        cid = lax.axis_index("c")
        sid = lax.axis_index("s")
        fs = sid % ns
        grp = (sid // ns) * _NC + cid

        pltpu.sync_copy(h2t_hbm.at[pl.ds(fs * nz, nz)], tab_v)

        @pl.loop(0, nz, step=16)
        def _zero(i):
            acc_v[pl.ds(i, 16)] = jnp.zeros((16,), jnp.float32)

        base = grp * ept

        @pl.loop(0, nch)
        def _chunk(c):
            eb = base + c * K
            pltpu.sync_copy(src_hbm.at[pl.ds(eb, K)], src_v)
            pltpu.sync_copy(dst_hbm.at[pl.ds(eb, K)], dst_v)
            pltpu.sync_copy(vals_hbm.at[pl.ds(eb, K)], vals_v)

            @plsc.parallel_loop(0, K, step=16, unroll=4)
            def _step(e0):
                sl = pl.ds(e0, 16)
                s16 = src_v[sl]
                d16 = dst_v[sl]
                vv = vals_v[sl]
                for k in range(_W):
                    g = plsc.load_gather(tab_v, [s16 + (k * n)])
                    plsc.addupdate_scatter(acc_v, [d16 + (k * n)], g * vv)

        pltpu.sync_copy(acc_v, out_hbm.at[pl.ds(grp * (d * n) + fs * nz, nz)])

    return seg_kernel(h2t_flat, src, dst, vals)


def _sc_decode(a, b, rows, cols):
    n = a.shape[0]
    KP = 400
    nch = _P // KP
    jmax = (nch + _NT - 1) // _NT

    mesh = plsc.VectorSubcoreMesh(core_axis_name="c", subcore_axis_name="s")

    @functools.partial(
        pl.kernel,
        out_type=jax.ShapeDtypeStruct((_P,), jnp.float32),
        mesh=mesh,
        compiler_params=_sc_compiler_params(),
        scratch_types=[
            pltpu.VMEM((n,), jnp.float32),
            pltpu.VMEM((n,), jnp.float32),
            pltpu.VMEM((KP,), jnp.int32),
            pltpu.VMEM((KP,), jnp.int32),
            pltpu.VMEM((KP,), jnp.float32),
            pltpu.SemaphoreType.DMA,
        ],
    )
    def dec_kernel(a_hbm, b_hbm, r_hbm, c_hbm, out_hbm,
                   a_v, b_v, r_v, c_v, o_v, sem):
        cid = lax.axis_index("c")
        sid = lax.axis_index("s")
        tid = sid * _NC + cid
        pltpu.sync_copy(a_hbm, a_v)
        pltpu.sync_copy(b_hbm, b_v)

        @pl.loop(0, jmax)
        def _j(j):
            c = tid + _NT * j

            @pl.when(c < nch)
            def _():
                pb = c * KP
                pltpu.sync_copy(r_hbm.at[pl.ds(pb, KP)], r_v)
                pltpu.sync_copy(c_hbm.at[pl.ds(pb, KP)], c_v)
                for kk in range(0, KP, 16):
                    sl = pl.ds(kk, 16)
                    va = plsc.load_gather(a_v, [r_v[sl]])
                    vb = plsc.load_gather(b_v, [c_v[sl]])
                    o_v[sl] = va + vb
                pltpu.sync_copy(o_v, out_hbm.at[pl.ds(pb, KP)])

    return dec_kernel(a, b, rows, cols)



def kernel(node_features, support_indices, support_values, row_indices,
           col_indices, W0, b0, W1, b1, Wd, bd):
    src = support_indices[0]
    dst = support_indices[1]
    h0 = W0.shape[1]
    h1 = W1.shape[1]

    wcat = jnp.concatenate([Wd[:h1], Wd[h1:]], axis=1)
    bd_vec = jnp.stack([bd[0], jnp.zeros((), jnp.float32)])[None, :]

    h2at = _tc_matmul_t(node_features, W0)
    parts0 = _sc_segment_sum(h2at.reshape(-1), src, dst,
                             support_values, h0)
    h2bt = _tc_combine_relu_matmul(parts0.reshape(-1, h0, _N),
                                   b0[None, :], W1,
                                   transpose_out=True)
    parts1 = _sc_segment_sum(h2bt.reshape(-1), src, dst,
                             support_values, h1)
    av, bv = _tc_decode_proj(parts1.reshape(-1, h1, _N),
                             b1[None, :], wcat, bd_vec)
    out = _sc_decode(av[:, 0], bv[:, 0], row_indices, col_indices)
    return out[:, None]

# --- scband reference (transcript-rebuilt; emitter-appended) ---
"""Pipeline reference for scband-compatibility-gae-30313879175768 (READ-ONLY COPY).

The authoritative reference and input builder live on the scoring server;
editing this copy changes nothing except your own understanding.
"""

import jax, jax.numpy as jnp
import numpy as np

N = 10000
E = 320000
P = 100000
D_IN = 128
H0 = 64
H1 = 32


def setup_inputs(seed: int = 0) -> dict:
    key = jax.random.key(seed)
    ks = jax.random.split(key, 12)
    node_features = jax.random.normal(ks[0], (N, D_IN), dtype=jnp.float32)
    support_indices = jax.random.randint(ks[1], (2, E), 0, N, dtype=jnp.int32)
    support_values = jax.random.uniform(ks[2], (E,), dtype=jnp.float32)
    row_indices = jax.random.randint(ks[3], (P,), 0, N, dtype=jnp.int32)
    col_indices = jax.random.randint(ks[4], (P,), 0, N, dtype=jnp.int32)
    # Learned parameters (num_support=1 -> one weight matrix per GCN layer)
    W0 = jax.random.normal(ks[5], (D_IN, H0), dtype=jnp.float32) * (1.0 / np.sqrt(D_IN))
    b0 = jnp.zeros((H0,), dtype=jnp.float32)
    W1 = jax.random.normal(ks[6], (H0, H1), dtype=jnp.float32) * (1.0 / np.sqrt(H0))
    b1 = jnp.zeros((H1,), dtype=jnp.float32)
    Wd = jax.random.normal(ks[7], (2 * H1, 1), dtype=jnp.float32) * (1.0 / np.sqrt(2 * H1))
    bd = jnp.zeros((1,), dtype=jnp.float32)
    return {
        'node_features': node_features,
        'support_indices': support_indices,
        'support_values': support_values,
        'row_indices': row_indices,
        'col_indices': col_indices,
        'W0': W0, 'b0': b0, 'W1': W1, 'b1': b1, 'Wd': Wd, 'bd': bd,
    }


def _gcn_layer(h, src, dst, vals, W, b):
    # GCN with single support: A_hat @ (h W) + b, relu.
    # Sparse matmul as gather + scatter-add (segment_sum).
    h2 = h @ W
    msg = vals[:, None] * jnp.take(h2, src, axis=0)
    agg = jax.ops.segment_sum(msg, dst, num_segments=N)
    return jax.nn.relu(agg + b)


def reference(node_features, support_indices, support_values, row_indices, col_indices, W0, b0, W1, b1, Wd, bd):
    src = support_indices[0]
    dst = support_indices[1]
    h = _gcn_layer(node_features, src, dst, support_values, W0, b0)
    h = _gcn_layer(h, src, dst, support_values, W1, b1)
    # MLPDecoder: gather endpoint embeddings for each (row, col) pair,
    # concat and project to a single compatibility score per edge.
    u = jnp.take(h, row_indices, axis=0)
    v = jnp.take(h, col_indices, axis=0)
    feat = jnp.concatenate([u, v], axis=-1)
    out = feat @ Wd + bd
    return out

if __name__ == "__main__":
    import jax
    _d = setup_inputs()
    print(jax.jit(kernel)(*tuple(_d.values())))

</pallas_src>

<mosaic_0001>
#map = affine_map<(d0, d1) -> (0)>
module attributes {stable_mosaic.version = 14 : i64} {
  func.func @seg_kernel(%arg0: i32, %arg1: i32, %arg2: memref<320000xf32, #tpu.memory_space<hbm>>, %arg3: memref<320000xi32, #tpu.memory_space<hbm>>, %arg4: memref<320000xi32, #tpu.memory_space<hbm>>, %arg5: memref<320000xf32, #tpu.memory_space<hbm>>, %arg6: memref<1280000xf32, #tpu.memory_space<hbm>>, %arg7: memref<10000xi32, #tpu.memory_space<vmem>>, %arg8: memref<10000xi32, #tpu.memory_space<vmem>>, %arg9: memref<10000xf32, #tpu.memory_space<vmem>>, %arg10: memref<40000xf32, #tpu.memory_space<vmem>>, %arg11: memref<40000xf32, #tpu.memory_space<vmem>>, %arg12: memref<!tpu.dma_semaphore, #tpu.memory_space<semaphore_mem>>) attributes {dimension_semantics = [#tpu.dimension_semantics<core_parallel>, #tpu.dimension_semantics<subcore_parallel>], iteration_bounds = array<i64: 2, 16>, scalar_prefetch = 0 : i64, scratch_operands = 6 : i64, tpu.core_type = #tpu.core_type<sc_vector_subcore>, window_params = [{transform_indices = #map}, {transform_indices = #map}, {transform_indices = #map}, {transform_indices = #map}, {transform_indices = #map}]} {
    %jit3A = arith.constant 8 : i32
    %eq3A = arith.constant 0 : i32
    %eq3A_0 = arith.cmpi eq, %jit3A, %eq3A : i32
    %jit3A_1 = arith.constant 1 : i32
    %select_n3A = arith.select %eq3A_0, %jit3A_1, %jit3A : i32
    %rem3A = arith.remsi %arg1, %select_n3A : i32
    %ne3A = arith.constant 0 : i32
    %ne3A_2 = arith.cmpi ne, %rem3A, %ne3A : i32
    %lt3A = arith.constant 0 : i32
    %lt3A_3 = arith.cmpi slt, %rem3A, %lt3A : i32
    %lt3A_4 = arith.constant 0 : i32
    %lt3A_5 = arith.cmpi slt, %select_n3A, %lt3A_4 : i32
    %ne3A_6 = arith.xori %lt3A_3, %lt3A_5 : i1
    %and3A = arith.andi %ne3A_6, %ne3A_2 : i1
    %add3A = arith.addi %rem3A, %select_n3A : i32
    %select_n3A_7 = arith.select %and3A, %add3A, %rem3A : i32
    %jit3A_8 = arith.constant 8 : i32
    %div3A = arith.divsi %arg1, %jit3A_8 : i32
    %sign3A = arith.constant 0 : i32
    %sign3A_9 = arith.cmpi sgt, %arg1, %sign3A : i32
    %sign3A_10 = arith.extui %sign3A_9 : i1 to i32
    %sign3A_11 = arith.constant 0 : i32
    %sign3A_12 = arith.cmpi slt, %arg1, %sign3A_11 : i32
    %sign3A_13 = arith.extui %sign3A_12 : i1 to i32
    %sign3A_14 = arith.subi %sign3A_10, %sign3A_13 : i32
    %sign3A_15 = arith.constant 0 : i32
    %sign3A_16 = arith.cmpi sgt, %jit3A_8, %sign3A_15 : i32
    %sign3A_17 = arith.extui %sign3A_16 : i1 to i32
    %sign3A_18 = arith.constant 0 : i32
    %sign3A_19 = arith.cmpi slt, %jit3A_8, %sign3A_18 : i32
    %sign3A_20 = arith.extui %sign3A_19 : i1 to i32
    %sign3A_21 = arith.subi %sign3A_17, %sign3A_20 : i32
    %ne3A_22 = arith.cmpi ne, %sign3A_14, %sign3A_21 : i32
    %rem3A_23 = arith.remsi %arg1, %jit3A_8 : i32
    %ne3A_24 = arith.constant 0 : i32
    %ne3A_25 = arith.cmpi ne, %rem3A_23, %ne3A_24 : i32
    %and3A_26 = arith.andi %ne3A_22, %ne3A_25 : i1
    %sub3A = arith.constant 1 : i32
    %sub3A_27 = arith.subi %div3A, %sub3A : i32
    %select_n3A_28 = arith.select %and3A_26, %sub3A_27, %div3A : i32
    %mul3A = arith.constant 2 : i32
    %mul3A_29 = arith.muli %select_n3A_28, %mul3A : i32
    %add3A_30 = arith.addi %mul3A_29, %arg0 : i32
    %mul3A_31 = arith.constant 40000 : i32
    %mul3A_32 = arith.muli %select_n3A_7, %mul3A_31 : i32
    "tpu.region"() ({
      %run_scoped3A = tpu.sem_alloc : memref<!tpu.dma_semaphore, #tpu.memory_space<semaphore_mem>>
      %dma_start3A = tpu.memref_slice %arg2[%mul3A_32] : memref<320000xf32, #tpu.memory_space<hbm>> -> memref<40000xf32, #tpu.memory_space<hbm>>
      %dma_start3A_49 = tpu.memref_slice %arg2[%mul3A_32] : memref<320000xf32, #tpu.memory_space<hbm>> -> memref<40000xf32, #tpu.memory_space<hbm>>
      tpu.enqueue_dma source(%dma_start3A_49 : memref<40000xf32, #tpu.memory_space<hbm>>) target(%arg10 : memref<40000xf32, #tpu.memory_space<vmem>>) target_semaphore(%run_scoped3A : memref<!tpu.dma_semaphore, #tpu.memory_space<semaphore_mem>>)
      %dma_wait3A = tpu.memref_slice %arg2[%mul3A_32] : memref<320000xf32, #tpu.memory_space<hbm>> -> memref<40000xf32, #tpu.memory_space<hbm>>
      %dma_wait3A_50 = tpu.memref_slice %arg2[%mul3A_32] : memref<320000xf32, #tpu.memory_space<hbm>> -> memref<40000xf32, #tpu.memory_space<hbm>>
      tpu.wait_dma2 semaphore(%run_scoped3A : memref<!tpu.dma_semaphore, #tpu.memory_space<semaphore_mem>>) src(%dma_wait3A_50 : memref<40000xf32, #tpu.memory_space<hbm>>) dst(%arg10 : memref<40000xf32, #tpu.memory_space<vmem>>)
      tpu.yield
    }) : () -> ()
    %scan3A = arith.constant 0 : i32
    %scan3A_33 = arith.constant 2500 : i32
    %scan3A_34 = arith.addi %scan3A, %scan3A_33 : i32
    %scan3A_35 = arith.constant 1 : i32
    scf.for %scan3A_49 = %scan3A to %scan3A_34 step %scan3A_35  : i32 {
      %mul3A_50 = arith.constant 16 : i32
      %mul3A_51 = arith.muli %scan3A_49, %mul3A_50 : i32
      %add3A_52 = arith.constant 0 : i32
      %add3A_53 = arith.addi %add3A_52, %mul3A_51 : i32
      %broadcast_in_dim3A = arith.constant 0.000000e+00 : f32
      %broadcast_in_dim3A_54 = vector.broadcast %broadcast_in_dim3A : f32 to vector<16xf32>
      %swap3A = arith.index_cast %add3A_53 : i32 to index
      %swap3A_55 = tpu.vector_load %arg11[%swap3A] {strides = array<i32>} : memref<40000xf32, #tpu.memory_space<vmem>>, vector<16xf32>,
      tpu.vector_store %arg11[%swap3A], %broadcast_in_dim3A_54 {strides = array<i32>} : memref<40000xf32, #tpu.memory_space<vmem>>, vector<16xf32>,
    }
    %scan3A_36 = arith.constant 2500 : i32
    %mul3A_37 = arith.constant 80000 : i32
    %mul3A_38 = arith.muli %add3A_30, %mul3A_37 : i32
    %scan3A_39 = arith.constant 0 : i32
    %scan3A_40 = arith.constant 8 : i32
    %scan3A_41 = arith.addi %scan3A_39, %scan3A_40 : i32
    %scan3A_42 = arith.constant 1 : i32
    scf.for %scan3A_49 = %scan3A_39 to %scan3A_41 step %scan3A_42  : i32 {
      %mul3A_50 = arith.constant 1 : i32
      %mul3A_51 = arith.muli %scan3A_49, %mul3A_50 : i32
      %add3A_52 = arith.constant 0 : i32
      %add3A_53 = arith.addi %add3A_52, %mul3A_51 : i32
      %mul3A_54 = arith.constant 10000 : i32
      %mul3A_55 = arith.muli %add3A_53, %mul3A_54 : i32
      %add3A_56 = arith.addi %mul3A_38, %mul3A_55 : i32
      "tpu.region"() ({
        %run_scoped3A = tpu.sem_alloc : memref<!tpu.dma_semaphore, #tpu.memory_space<semaphore_mem>>
        %dma_start3A = tpu.memref_slice %arg3[%add3A_56] : memref<320000xi32, #tpu.memory_space<hbm>> -> memref<10000xi32, #tpu.memory_space<hbm>>
        %dma_start3A_59 = tpu.memref_slice %arg3[%add3A_56] : memref<320000xi32, #tpu.memory_space<hbm>> -> memref<10000xi32, #tpu.memory_space<hbm>>
        tpu.enqueue_dma source(%dma_start3A_59 : memref<10000xi32, #tpu.memory_space<hbm>>) target(%arg7 : memref<10000xi32, #tpu.memory_space<vmem>>) target_semaphore(%run_scoped3A : memref<!tpu.dma_semaphore, #tpu.memory_space<semaphore_mem>>)
        %dma_wait3A = tpu.memref_slice %arg3[%add3A_56] : memref<320000xi32, #tpu.memory_space<hbm>> -> memref<10000xi32, #tpu.memory_space<hbm>>
        %dma_wait3A_60 = tpu.memref_slice %arg3[%add3A_56] : memref<320000xi32, #tpu.memory_space<hbm>> -> memref<10000xi32, #tpu.memory_space<hbm>>
        tpu.wait_dma2 semaphore(%run_scoped3A : memref<!tpu.dma_semaphore, #tpu.memory_space<semaphore_mem>>) src(%dma_wait3A_60 : memref<10000xi32, #tpu.memory_space<hbm>>) dst(%arg7 : memref<10000xi32, #tpu.memory_space<vmem>>)
        tpu.yield
      }) : () -> ()
      "tpu.region"() ({
        %run_scoped3A = tpu.sem_alloc : memref<!tpu.dma_semaphore, #tpu.memory_space<semaphore_mem>>
        %dma_start3A = tpu.memref_slice %arg4[%add3A_56] : memref<320000xi32, #tpu.memory_space<hbm>> -> memref<10000xi32, #tpu.memory_space<hbm>>
        %dma_start3A_59 = tpu.memref_slice %arg4[%add3A_56] : memref<320000xi32, #tpu.memory_space<hbm>> -> memref<10000xi32, #tpu.memory_space<hbm>>
        tpu.enqueue_dma source(%dma_start3A_59 : memref<10000xi32, #tpu.memory_space<hbm>>) target(%arg8 : memref<10000xi32, #tpu.memory_space<vmem>>) target_semaphore(%run_scoped3A : memref<!tpu.dma_semaphore, #tpu.memory_space<semaphore_mem>>)
        %dma_wait3A = tpu.memref_slice %arg4[%add3A_56] : memref<320000xi32, #tpu.memory_space<hbm>> -> memref<10000xi32, #tpu.memory_space<hbm>>
        %dma_wait3A_60 = tpu.memref_slice %arg4[%add3A_56] : memref<320000xi32, #tpu.memory_space<hbm>> -> memref<10000xi32, #tpu.memory_space<hbm>>
        tpu.wait_dma2 semaphore(%run_scoped3A : memref<!tpu.dma_semaphore, #tpu.memory_space<semaphore_mem>>) src(%dma_wait3A_60 : memref<10000xi32, #tpu.memory_space<hbm>>) dst(%arg8 : memref<10000xi32, #tpu.memory_space<vmem>>)
        tpu.yield
      }) : () -> ()
      "tpu.region"() ({
        %run_scoped3A = tpu.sem_alloc : memref<!tpu.dma_semaphore, #tpu.memory_space<semaphore_mem>>
        %dma_start3A = tpu.memref_slice %arg5[%add3A_56] : memref<320000xf32, #tpu.memory_space<hbm>> -> memref<10000xf32, #tpu.memory_space<hbm>>
        %dma_start3A_59 = tpu.memref_slice %arg5[%add3A_56] : memref<320000xf32, #tpu.memory_space<hbm>> -> memref<10000xf32, #tpu.memory_space<hbm>>
        tpu.enqueue_dma source(%dma_start3A_59 : memref<10000xf32, #tpu.memory_space<hbm>>) target(%arg9 : memref<10000xf32, #tpu.memory_space<vmem>>) target_semaphore(%run_scoped3A : memref<!tpu.dma_semaphore, #tpu.memory_space<semaphore_mem>>)
        %dma_wait3A = tpu.memref_slice %arg5[%add3A_56] : memref<320000xf32, #tpu.memory_space<hbm>> -> memref<10000xf32, #tpu.memory_space<hbm>>
        %dma_wait3A_60 = tpu.memref_slice %arg5[%add3A_56] : memref<320000xf32, #tpu.memory_space<hbm>> -> memref<10000xf32, #tpu.memory_space<hbm>>
        tpu.wait_dma2 semaphore(%run_scoped3A : memref<!tpu.dma_semaphore, #tpu.memory_space<semaphore_mem>>) src(%dma_wait3A_60 : memref<10000xf32, #tpu.memory_space<hbm>>) dst(%arg9 : memref<10000xf32, #tpu.memory_space<vmem>>)
        tpu.yield
      }) : () -> ()
      %parallel_loop3A = arith.constant 0 : i32
      %parallel_loop3A_57 = arith.constant 10000 : i32
      %parallel_loop3A_58 = arith.constant 16 : i32
      scf.for %parallel_loop3A_59 = %parallel_loop3A to %parallel_loop3A_57 step %parallel_loop3A_58  : i32 {
        %parallel_loop3A_60 = arith.index_cast %parallel_loop3A_59 : i32 to index
        %parallel_loop3A_61 = tpu.vector_load %arg7[%parallel_loop3A_60] {strides = array<i32>} : memref<10000xi32, #tpu.memory_space<vmem>>, vector<16xi32>,
        %parallel_loop3A_62 = arith.index_cast %parallel_loop3A_59 : i32 to index
        %parallel_loop3A_63 = tpu.vector_load %arg8[%parallel_loop3A_62] {strides = array<i32>} : memref<10000xi32, #tpu.memory_space<vmem>>, vector<16xi32>,
        %parallel_loop3A_64 = arith.index_cast %parallel_loop3A_59 : i32 to index
        %parallel_loop3A_65 = tpu.vector_load %arg9[%parallel_loop3A_64] {strides = array<i32>} : memref<10000xf32, #tpu.memory_space<vmem>>, vector<16xf32>,
        %parallel_loop3A_66 = arith.constant 0 : i32
        %parallel_loop3A_67 = vector.broadcast %parallel_loop3A_66 : i32 to vector<16xi32>
        %parallel_loop3A_68 = arith.addi %parallel_loop3A_61, %parallel_loop3A_67 : vector<16xi32>
        %parallel_loop3A_69 = tpu.vector_load_idx %arg10[%parallel_loop3A_68] : memref<40000xf32, #tpu.memory_space<vmem>>[vector<16xi32>], vector<16xf32>,
        %parallel_loop3A_70 = arith.constant 0 : i32
        %parallel_loop3A_71 = vector.broadcast %parallel_loop3A_70 : i32 to vector<16xi32>
        %parallel_loop3A_72 = arith.addi %parallel_loop3A_63, %parallel_loop3A_71 : vector<16xi32>
        %parallel_loop3A_73 = arith.mulf %parallel_loop3A_69, %parallel_loop3A_65 : vector<16xf32>
        tpu.vector_store_idx %arg11[%parallel_loop3A_72], %parallel_loop3A_73 {add = true} : memref<40000xf32, #tpu.memory_space<vmem>>[vector<16xi32>], vector<16xf32>,
        %parallel_loop3A_74 = arith.constant 10000 : i32
        %parallel_loop3A_75 = vector.broadcast %parallel_loop3A_74 : i32 to vector<16xi32>
        %parallel_loop3A_76 = arith.addi %parallel_loop3A_61, %parallel_loop3A_75 : vector<16xi32>
        %parallel_loop3A_77 = tpu.vector_load_idx %arg10[%parallel_loop3A_76] : memref<40000xf32, #tpu.memory_space<vmem>>[vector<16xi32>], vector<16xf32>,
        %parallel_loop3A_78 = arith.constant 10000 : i32
        %parallel_loop3A_79 = vector.broadcast %parallel_loop3A_78 : i32 to vector<16xi32>
        %parallel_loop3A_80 = arith.addi %parallel_loop3A_63, %parallel_loop3A_79 : vector<16xi32>
        %parallel_loop3A_81 = arith.mulf %parallel_loop3A_77, %parallel_loop3A_65 : vector<16xf32>
        tpu.vector_store_idx %arg11[%parallel_loop3A_80], %parallel_loop3A_81 {add = true} : memref<40000xf32, #tpu.memory_space<vmem>>[vector<16xi32>], vector<16xf32>,
        %parallel_loop3A_82 = arith.constant 20000 : i32
        %parallel_loop3A_83 = vector.broadcast %parallel_loop3A_82 : i32 to vector<16xi32>
        %parallel_loop3A_84 = arith.addi %parallel_loop3A_61, %parallel_loop3A_83 : vector<16xi32>
        %parallel_loop3A_85 = tpu.vector_load_idx %arg10[%parallel_loop3A_84] : memref<40000xf32, #tpu.memory_space<vmem>>[vector<16xi32>], vector<16xf32>,
        %parallel_loop3A_86 = arith.constant 20000 : i32
        %parallel_loop3A_87 = vector.broadcast %parallel_loop3A_86 : i32 to vector<16xi32>
        %parallel_loop3A_88 = arith.addi %parallel_loop3A_63, %parallel_loop3A_87 : vector<16xi32>
        %parallel_loop3A_89 = arith.mulf %parallel_loop3A_85, %parallel_loop3A_65 : vector<16xf32>
        tpu.vector_store_idx %arg11[%parallel_loop3A_88], %parallel_loop3A_89 {add = true} : memref<40000xf32, #tpu.memory_space<vmem>>[vector<16xi32>], vector<16xf32>,
        %parallel_loop3A_90 = arith.constant 30000 : i32
        %parallel_loop3A_91 = vector.broadcast %parallel_loop3A_90 : i32 to vector<16xi32>
        %parallel_loop3A_92 = arith.addi %parallel_loop3A_61, %parallel_loop3A_91 : vector<16xi32>
        %parallel_loop3A_93 = tpu.vector_load_idx %arg10[%parallel_loop3A_92] : memref<40000xf32, #tpu.memory_space<vmem>>[vector<16xi32>], vector<16xf32>,
        %parallel_loop3A_94 = arith.constant 30000 : i32
        %parallel_loop3A_95 = vector.broadcast %parallel_loop3A_94 : i32 to vector<16xi32>
        %parallel_loop3A_96 = arith.addi %parallel_loop3A_63, %parallel_loop3A_95 : vector<16xi32>
        %parallel_loop3A_97 = arith.mulf %parallel_loop3A_93, %parallel_loop3A_65 : vector<16xf32>
        tpu.vector_store_idx %arg11[%parallel_loop3A_96], %parallel_loop3A_97 {add = true} : memref<40000xf32, #tpu.memory_space<vmem>>[vector<16xi32>], vector<16xf32>,
      } {sc.loop_unroll_factor = 4 : i64, sc.parallel_access}
    }
    %scan3A_43 = arith.constant 8 : i32
    %mul3A_44 = arith.constant 320000 : i32
    %mul3A_45 = arith.muli %add3A_30, %mul3A_44 : i32
    %mul3A_46 = arith.constant 40000 : i32
    %mul3A_47 = arith.muli %select_n3A_7, %mul3A_46 : i32
    %add3A_48 = arith.addi %mul3A_45, %mul3A_47 : i32
    "tpu.region"() ({
      %run_scoped3A = tpu.sem_alloc : memref<!tpu.dma_semaphore, #tpu.memory_space<semaphore_mem>>
      %dma_start3A = tpu.memref_slice %arg6[%add3A_48] : memref<1280000xf32, #tpu.memory_space<hbm>> -> memref<40000xf32, #tpu.memory_space<hbm>>
      %dma_start3A_49 = tpu.memref_slice %arg6[%add3A_48] : memref<1280000xf32, #tpu.memory_space<hbm>> -> memref<40000xf32, #tpu.memory_space<hbm>>
      tpu.enqueue_dma source(%arg11 : memref<40000xf32, #tpu.memory_space<vmem>>) target(%dma_start3A_49 : memref<40000xf32, #tpu.memory_space<hbm>>) target_semaphore(%run_scoped3A : memref<!tpu.dma_semaphore, #tpu.memory_space<semaphore_mem>>)
      %dma_wait3A = tpu.memref_slice %arg6[%add3A_48] : memref<1280000xf32, #tpu.memory_space<hbm>> -> memref<40000xf32, #tpu.memory_space<hbm>>
      %dma_wait3A_50 = tpu.memref_slice %arg6[%add3A_48] : memref<1280000xf32, #tpu.memory_space<hbm>> -> memref<40000xf32, #tpu.memory_space<hbm>>
      tpu.wait_dma2 semaphore(%run_scoped3A : memref<!tpu.dma_semaphore, #tpu.memory_space<semaphore_mem>>) src(%arg11 : memref<40000xf32, #tpu.memory_space<vmem>>) dst(%dma_wait3A_50 : memref<40000xf32, #tpu.memory_space<hbm>>)
      tpu.yield
    }) : () -> ()
    return
  }
}

#map = affine_map<(d0, d1) -> (0)>
module attributes {stable_mosaic.version = 14 : i64} {
  func.func @seg_kernel(%arg0: i32, %arg1: i32, %arg2: memref<640000xf32, #tpu.memory_space<hbm>>, %arg3: memref<320000xi32, #tpu.memory_space<hbm>>, %arg4: memref<320000xi32, #tpu.memory_space<hbm>>, %arg5: memref<320000xf32, #tpu.memory_space<hbm>>, %arg6: memref<1280000xf32, #tpu.memory_space<hbm>>, %arg7: memref<10000xi32, #tpu.memory_space<vmem>>, %arg8: memref<10000xi32, #tpu.memory_space<vmem>>, %arg9: memref<10000xf32, #tpu.memory_space<vmem>>, %arg10: memref<40000xf32, #tpu.memory_space<vmem>>, %arg11: memref<40000xf32, #tpu.memory_space<vmem>>, %arg12: memref<!tpu.dma_semaphore, #tpu.memory_space<semaphore_mem>>) attributes {dimension_semantics = [#tpu.dimension_semantics<core_parallel>, #tpu.dimension_semantics<subcore_parallel>], iteration_bounds = array<i64: 2, 16>, scalar_prefetch = 0 : i64, scratch_operands = 6 : i64, tpu.core_type = #tpu.core_type<sc_vector_subcore>, window_params = [{transform_indices = #map}, {transform_indices = #map}, {transform_indices = #map}, {transform_indices = #map}, {transform_indices = #map}]} {
    %jit3A = arith.constant 16 : i32
    %eq3A = arith.constant 0 : i32
    %eq3A_0 = arith.cmpi eq, %jit3A, %eq3A : i32
    %jit3A_1 = arith.constant 1 : i32
    %select_n3A = arith.select %eq3A_0, %jit3A_1, %jit3A : i32
    %rem3A = arith.remsi %arg1, %select_n3A : i32
    %ne3A = arith.constant 0 : i32
    %ne3A_2 = arith.cmpi ne, %rem3A, %ne3A : i32
    %lt3A = arith.constant 0 : i32
    %lt3A_3 = arith.cmpi slt, %rem3A, %lt3A : i32
    %lt3A_4 = arith.constant 0 : i32
    %lt3A_5 = arith.cmpi slt, %select_n3A, %lt3A_4 : i32
    %ne3A_6 = arith.xori %lt3A_3, %lt3A_5 : i1
    %and3A = arith.andi %ne3A_6, %ne3A_2 : i1
    %add3A = arith.addi %rem3A, %select_n3A : i32
    %select_n3A_7 = arith.select %and3A, %add3A, %rem3A : i32
    %jit3A_8 = arith.constant 16 : i32
    %div3A = arith.divsi %arg1, %jit3A_8 : i32
    %sign3A = arith.constant 0 : i32
    %sign3A_9 = arith.cmpi sgt, %arg1, %sign3A : i32
    %sign3A_10 = arith.extui %sign3A_9 : i1 to i32
    %sign3A_11 = arith.constant 0 : i32
    %sign3A_12 = arith.cmpi slt, %arg1, %sign3A_11 : i32
    %sign3A_13 = arith.extui %sign3A_12 : i1 to i32
    %sign3A_14 = arith.subi %sign3A_10, %sign3A_13 : i32
    %sign3A_15 = arith.constant 0 : i32
    %sign3A_16 = arith.cmpi sgt, %jit3A_8, %sign3A_15 : i32
    %sign3A_17 = arith.extui %sign3A_16 : i1 to i32
    %sign3A_18 = arith.constant 0 : i32
    %sign3A_19 = arith.cmpi slt, %jit3A_8, %sign3A_18 : i32
    %sign3A_20 = arith.extui %sign3A_19 : i1 to i32
    %sign3A_21 = arith.subi %sign3A_17, %sign3A_20 : i32
    %ne3A_22 = arith.cmpi ne, %sign3A_14, %sign3A_21 : i32
    %rem3A_23 = arith.remsi %arg1, %jit3A_8 : i32
    %ne3A_24 = arith.constant 0 : i32
    %ne3A_25 = arith.cmpi ne, %rem3A_23, %ne3A_24 : i32
    %and3A_26 = arith.andi %ne3A_22, %ne3A_25 : i1
    %sub3A = arith.constant 1 : i32
    %sub3A_27 = arith.subi %div3A, %sub3A : i32
    %select_n3A_28 = arith.select %and3A_26, %sub3A_27, %div3A : i32
    %mul3A = arith.constant 2 : i32
    %mul3A_29 = arith.muli %select_n3A_28, %mul3A : i32
    %add3A_30 = arith.addi %mul3A_29, %arg0 : i32
    %mul3A_31 = arith.constant 40000 : i32
    %mul3A_32 = arith.muli %select_n3A_7, %mul3A_31 : i32
    "tpu.region"() ({
      %run_scoped3A = tpu.sem_alloc : memref<!tpu.dma_semaphore, #tpu.memory_space<semaphore_mem>>
      %dma_start3A = tpu.memref_slice %arg2[%mul3A_32] : memref<640000xf32, #tpu.memory_space<hbm>> -> memref<40000xf32, #tpu.memory_space<hbm>>
      %dma_start3A_49 = tpu.memref_slice %arg2[%mul3A_32] : memref<640000xf32, #tpu.memory_space<hbm>> -> memref<40000xf32, #tpu.memory_space<hbm>>
      tpu.enqueue_dma source(%dma_start3A_49 : memref<40000xf32, #tpu.memory_space<hbm>>) target(%arg10 : memref<40000xf32, #tpu.memory_space<vmem>>) target_semaphore(%run_scoped3A : memref<!tpu.dma_semaphore, #tpu.memory_space<semaphore_mem>>)
      %dma_wait3A = tpu.memref_slice %arg2[%mul3A_32] : memref<640000xf32, #tpu.memory_space<hbm>> -> memref<40000xf32, #tpu.memory_space<hbm>>
      %dma_wait3A_50 = tpu.memref_slice %arg2[%mul3A_32] : memref<640000xf32, #tpu.memory_space<hbm>> -> memref<40000xf32, #tpu.memory_space<hbm>>
      tpu.wait_dma2 semaphore(%run_scoped3A : memref<!tpu.dma_semaphore, #tpu.memory_space<semaphore_mem>>) src(%dma_wait3A_50 : memref<40000xf32, #tpu.memory_space<hbm>>) dst(%arg10 : memref<40000xf32, #tpu.memory_space<vmem>>)
      tpu.yield
    }) : () -> ()
    %scan3A = arith.constant 0 : i32
    %scan3A_33 = arith.constant 2500 : i32
    %scan3A_34 = arith.addi %scan3A, %scan3A_33 : i32
    %scan3A_35 = arith.constant 1 : i32
    scf.for %scan3A_49 = %scan3A to %scan3A_34 step %scan3A_35  : i32 {
      %mul3A_50 = arith.constant 16 : i32
      %mul3A_51 = arith.muli %scan3A_49, %mul3A_50 : i32
      %add3A_52 = arith.constant 0 : i32
      %add3A_53 = arith.addi %add3A_52, %mul3A_51 : i32
      %broadcast_in_dim3A = arith.constant 0.000000e+00 : f32
      %broadcast_in_dim3A_54 = vector.broadcast %broadcast_in_dim3A : f32 to vector<16xf32>
      %swap3A = arith.index_cast %add3A_53 : i32 to index
      %swap3A_55 = tpu.vector_load %arg11[%swap3A] {strides = array<i32>} : memref<40000xf32, #tpu.memory_space<vmem>>, vector<16xf32>,
      tpu.vector_store %arg11[%swap3A], %broadcast_in_dim3A_54 {strides = array<i32>} : memref<40000xf32, #tpu.memory_space<vmem>>, vector<16xf32>,
    }
    %scan3A_36 = arith.constant 2500 : i32
    %mul3A_37 = arith.constant 160000 : i32
    %mul3A_38 = arith.muli %add3A_30, %mul3A_37 : i32
    %scan3A_39 = arith.constant 0 : i32
    %scan3A_40 = arith.constant 16 : i32
    %scan3A_41 = arith.addi %scan3A_39, %scan3A_40 : i32
    %scan3A_42 = arith.constant 1 : i32
    scf.for %scan3A_49 = %scan3A_39 to %scan3A_41 step %scan3A_42  : i32 {
      %mul3A_50 = arith.constant 1 : i32
      %mul3A_51 = arith.muli %scan3A_49, %mul3A_50 : i32
      %add3A_52 = arith.constant 0 : i32
      %add3A_53 = arith.addi %add3A_52, %mul3A_51 : i32
      %mul3A_54 = arith.constant 10000 : i32
      %mul3A_55 = arith.muli %add3A_53, %mul3A_54 : i32
      %add3A_56 = arith.addi %mul3A_38, %mul3A_55 : i32
      "tpu.region"() ({
        %run_scoped3A = tpu.sem_alloc : memref<!tpu.dma_semaphore, #tpu.memory_space<semaphore_mem>>
        %dma_start3A = tpu.memref_slice %arg3[%add3A_56] : memref<320000xi32, #tpu.memory_space<hbm>> -> memref<10000xi32, #tpu.memory_space<hbm>>
        %dma_start3A_59 = tpu.memref_slice %arg3[%add3A_56] : memref<320000xi32, #tpu.memory_space<hbm>> -> memref<10000xi32, #tpu.memory_space<hbm>>
        tpu.enqueue_dma source(%dma_start3A_59 : memref<10000xi32, #tpu.memory_space<hbm>>) target(%arg7 : memref<10000xi32, #tpu.memory_space<vmem>>) target_semaphore(%run_scoped3A : memref<!tpu.dma_semaphore, #tpu.memory_space<semaphore_mem>>)
        %dma_wait3A = tpu.memref_slice %arg3[%add3A_56] : memref<320000xi32, #tpu.memory_space<hbm>> -> memref<10000xi32, #tpu.memory_space<hbm>>
        %dma_wait3A_60 = tpu.memref_slice %arg3[%add3A_56] : memref<320000xi32, #tpu.memory_space<hbm>> -> memref<10000xi32, #tpu.memory_space<hbm>>
        tpu.wait_dma2 semaphore(%run_scoped3A : memref<!tpu.dma_semaphore, #tpu.memory_space<semaphore_mem>>) src(%dma_wait3A_60 : memref<10000xi32, #tpu.memory_space<hbm>>) dst(%arg7 : memref<10000xi32, #tpu.memory_space<vmem>>)
        tpu.yield
      }) : () -> ()
      "tpu.region"() ({
        %run_scoped3A = tpu.sem_alloc : memref<!tpu.dma_semaphore, #tpu.memory_space<semaphore_mem>>
        %dma_start3A = tpu.memref_slice %arg4[%add3A_56] : memref<320000xi32, #tpu.memory_space<hbm>> -> memref<10000xi32, #tpu.memory_space<hbm>>
        %dma_start3A_59 = tpu.memref_slice %arg4[%add3A_56] : memref<320000xi32, #tpu.memory_space<hbm>> -> memref<10000xi32, #tpu.memory_space<hbm>>
        tpu.enqueue_dma source(%dma_start3A_59 : memref<10000xi32, #tpu.memory_space<hbm>>) target(%arg8 : memref<10000xi32, #tpu.memory_space<vmem>>) target_semaphore(%run_scoped3A : memref<!tpu.dma_semaphore, #tpu.memory_space<semaphore_mem>>)
        %dma_wait3A = tpu.memref_slice %arg4[%add3A_56] : memref<320000xi32, #tpu.memory_space<hbm>> -> memref<10000xi32, #tpu.memory_space<hbm>>
        %dma_wait3A_60 = tpu.memref_slice %arg4[%add3A_56] : memref<320000xi32, #tpu.memory_space<hbm>> -> memref<10000xi32, #tpu.memory_space<hbm>>
        tpu.wait_dma2 semaphore(%run_scoped3A : memref<!tpu.dma_semaphore, #tpu.memory_space<semaphore_mem>>) src(%dma_wait3A_60 : memref<10000xi32, #tpu.memory_space<hbm>>) dst(%arg8 : memref<10000xi32, #tpu.memory_space<vmem>>)
        tpu.yield
      }) : () -> ()
      "tpu.region"() ({
        %run_scoped3A = tpu.sem_alloc : memref<!tpu.dma_semaphore, #tpu.memory_space<semaphore_mem>>
        %dma_start3A = tpu.memref_slice %arg5[%add3A_56] : memref<320000xf32, #tpu.memory_space<hbm>> -> memref<10000xf32, #tpu.memory_space<hbm>>
        %dma_start3A_59 = tpu.memref_slice %arg5[%add3A_56] : memref<320000xf32, #tpu.memory_space<hbm>> -> memref<10000xf32, #tpu.memory_space<hbm>>
        tpu.enqueue_dma source(%dma_start3A_59 : memref<10000xf32, #tpu.memory_space<hbm>>) target(%arg9 : memref<10000xf32, #tpu.memory_space<vmem>>) target_semaphore(%run_scoped3A : memref<!tpu.dma_semaphore, #tpu.memory_space<semaphore_mem>>)
        %dma_wait3A = tpu.memref_slice %arg5[%add3A_56] : memref<320000xf32, #tpu.memory_space<hbm>> -> memref<10000xf32, #tpu.memory_space<hbm>>
        %dma_wait3A_60 = tpu.memref_slice %arg5[%add3A_56] : memref<320000xf32, #tpu.memory_space<hbm>> -> memref<10000xf32, #tpu.memory_space<hbm>>
        tpu.wait_dma2 semaphore(%run_scoped3A : memref<!tpu.dma_semaphore, #tpu.memory_space<semaphore_mem>>) src(%dma_wait3A_60 : memref<10000xf32, #tpu.memory_space<hbm>>) dst(%arg9 : memref<10000xf32, #tpu.memory_space<vmem>>)
        tpu.yield
      }) : () -> ()
      %parallel_loop3A = arith.constant 0 : i32
      %parallel_loop3A_57 = arith.constant 10000 : i32
      %parallel_loop3A_58 = arith.constant 16 : i32
      scf.for %parallel_loop3A_59 = %parallel_loop3A to %parallel_loop3A_57 step %parallel_loop3A_58  : i32 {
        %parallel_loop3A_60 = arith.index_cast %parallel_loop3A_59 : i32 to index
        %parallel_loop3A_61 = tpu.vector_load %arg7[%parallel_loop3A_60] {strides = array<i32>} : memref<10000xi32, #tpu.memory_space<vmem>>, vector<16xi32>,
        %parallel_loop3A_62 = arith.index_cast %parallel_loop3A_59 : i32 to index
        %parallel_loop3A_63 = tpu.vector_load %arg8[%parallel_loop3A_62] {strides = array<i32>} : memref<10000xi32, #tpu.memory_space<vmem>>, vector<16xi32>,
        %parallel_loop3A_64 = arith.index_cast %parallel_loop3A_59 : i32 to index
        %parallel_loop3A_65 = tpu.vector_load %arg9[%parallel_loop3A_64] {strides = array<i32>} : memref<10000xf32, #tpu.memory_space<vmem>>, vector<16xf32>,
        %parallel_loop3A_66 = arith.constant 0 : i32
        %parallel_loop3A_67 = vector.broadcast %parallel_loop3A_66 : i32 to vector<16xi32>
        %parallel_loop3A_68 = arith.addi %parallel_loop3A_61, %parallel_loop3A_67 : vector<16xi32>
        %parallel_loop3A_69 = tpu.vector_load_idx %arg10[%parallel_loop3A_68] : memref<40000xf32, #tpu.memory_space<vmem>>[vector<16xi32>], vector<16xf32>,
        %parallel_loop3A_70 = arith.constant 0 : i32
        %parallel_loop3A_71 = vector.broadcast %parallel_loop3A_70 : i32 to vector<16xi32>
        %parallel_loop3A_72 = arith.addi %parallel_loop3A_63, %parallel_loop3A_71 : vector<16xi32>
        %parallel_loop3A_73 = arith.mulf %parallel_loop3A_69, %parallel_loop3A_65 : vector<16xf32>
        tpu.vector_store_idx %arg11[%parallel_loop3A_72], %parallel_loop3A_73 {add = true} : memref<40000xf32, #tpu.memory_space<vmem>>[vector<16xi32>], vector<16xf32>,
        %parallel_loop3A_74 = arith.constant 10000 : i32
        %parallel_loop3A_75 = vector.broadcast %parallel_loop3A_74 : i32 to vector<16xi32>
        %parallel_loop3A_76 = arith.addi %parallel_loop3A_61, %parallel_loop3A_75 : vector<16xi32>
        %parallel_loop3A_77 = tpu.vector_load_idx %arg10[%parallel_loop3A_76] : memref<40000xf32, #tpu.memory_space<vmem>>[vector<16xi32>], vector<16xf32>,
        %parallel_loop3A_78 = arith.constant 10000 : i32
        %parallel_loop3A_79 = vector.broadcast %parallel_loop3A_78 : i32 to vector<16xi32>
        %parallel_loop3A_80 = arith.addi %parallel_loop3A_63, %parallel_loop3A_79 : vector<16xi32>
        %parallel_loop3A_81 = arith.mulf %parallel_loop3A_77, %parallel_loop3A_65 : vector<16xf32>
        tpu.vector_store_idx %arg11[%parallel_loop3A_80], %parallel_loop3A_81 {add = true} : memref<40000xf32, #tpu.memory_space<vmem>>[vector<16xi32>], vector<16xf32>,
        %parallel_loop3A_82 = arith.constant 20000 : i32
        %parallel_loop3A_83 = vector.broadcast %parallel_loop3A_82 : i32 to vector<16xi32>
        %parallel_loop3A_84 = arith.addi %parallel_loop3A_61, %parallel_loop3A_83 : vector<16xi32>
        %parallel_loop3A_85 = tpu.vector_load_idx %arg10[%parallel_loop3A_84] : memref<40000xf32, #tpu.memory_space<vmem>>[vector<16xi32>], vector<16xf32>,
        %parallel_loop3A_86 = arith.constant 20000 : i32
        %parallel_loop3A_87 = vector.broadcast %parallel_loop3A_86 : i32 to vector<16xi32>
        %parallel_loop3A_88 = arith.addi %parallel_loop3A_63, %parallel_loop3A_87 : vector<16xi32>
        %parallel_loop3A_89 = arith.mulf %parallel_loop3A_85, %parallel_loop3A_65 : vector<16xf32>
        tpu.vector_store_idx %arg11[%parallel_loop3A_88], %parallel_loop3A_89 {add = true} : memref<40000xf32, #tpu.memory_space<vmem>>[vector<16xi32>], vector<16xf32>,
        %parallel_loop3A_90 = arith.constant 30000 : i32
        %parallel_loop3A_91 = vector.broadcast %parallel_loop3A_90 : i32 to vector<16xi32>
        %parallel_loop3A_92 = arith.addi %parallel_loop3A_61, %parallel_loop3A_91 : vector<16xi32>
        %parallel_loop3A_93 = tpu.vector_load_idx %arg10[%parallel_loop3A_92] : memref<40000xf32, #tpu.memory_space<vmem>>[vector<16xi32>], vector<16xf32>,
        %parallel_loop3A_94 = arith.constant 30000 : i32
        %parallel_loop3A_95 = vector.broadcast %parallel_loop3A_94 : i32 to vector<16xi32>
        %parallel_loop3A_96 = arith.addi %parallel_loop3A_63, %parallel_loop3A_95 : vector<16xi32>
        %parallel_loop3A_97 = arith.mulf %parallel_loop3A_93, %parallel_loop3A_65 : vector<16xf32>
        tpu.vector_store_idx %arg11[%parallel_loop3A_96], %parallel_loop3A_97 {add = true} : memref<40000xf32, #tpu.memory_space<vmem>>[vector<16xi32>], vector<16xf32>,
      } {sc.loop_unroll_factor = 4 : i64, sc.parallel_access}
    }
    %scan3A_43 = arith.constant 16 : i32
    %mul3A_44 = arith.constant 640000 : i32
    %mul3A_45 = arith.muli %add3A_30, %mul3A_44 : i32
    %mul3A_46 = arith.constant 40000 : i32
    %mul3A_47 = arith.muli %select_n3A_7, %mul3A_46 : i32
    %add3A_48 = arith.addi %mul3A_45, %mul3A_47 : i32
    "tpu.region"() ({
      %run_scoped3A = tpu.sem_alloc : memref<!tpu.dma_semaphore, #tpu.memory_space<semaphore_mem>>
      %dma_start3A = tpu.memref_slice %arg6[%add3A_48] : memref<1280000xf32, #tpu.memory_space<hbm>> -> memref<40000xf32, #tpu.memory_space<hbm>>
      %dma_start3A_49 = tpu.memref_slice %arg6[%add3A_48] : memref<1280000xf32, #tpu.memory_space<hbm>> -> memref<40000xf32, #tpu.memory_space<hbm>>
      tpu.enqueue_dma source(%arg11 : memref<40000xf32, #tpu.memory_space<vmem>>) target(%dma_start3A_49 : memref<40000xf32, #tpu.memory_space<hbm>>) target_semaphore(%run_scoped3A : memref<!tpu.dma_semaphore, #tpu.memory_space<semaphore_mem>>)
      %dma_wait3A = tpu.memref_slice %arg6[%add3A_48] : memref<1280000xf32, #tpu.memory_space<hbm>> -> memref<40000xf32, #tpu.memory_space<hbm>>
      %dma_wait3A_50 = tpu.memref_slice %arg6[%add3A_48] : memref<1280000xf32, #tpu.memory_space<hbm>> -> memref<40000xf32, #tpu.memory_space<hbm>>
      tpu.wait_dma2 semaphore(%run_scoped3A : memref<!tpu.dma_semaphore, #tpu.memory_space<semaphore_mem>>) src(%arg11 : memref<40000xf32, #tpu.memory_space<vmem>>) dst(%dma_wait3A_50 : memref<40000xf32, #tpu.memory_space<hbm>>)
      tpu.yield
    }) : () -> ()
    return
  }
}

#map = affine_map<(d0, d1) -> (0)>
module attributes {stable_mosaic.version = 14 : i64} {
  func.func @dec_kernel(%arg0: i32, %arg1: i32, %arg2: memref<10000xf32, #tpu.memory_space<hbm>>, %arg3: memref<10000xf32, #tpu.memory_space<hbm>>, %arg4: memref<100000xi32, #tpu.memory_space<hbm>>, %arg5: memref<100000xi32, #tpu.memory_space<hbm>>, %arg6: memref<100000xf32, #tpu.memory_space<hbm>>, %arg7: memref<10000xf32, #tpu.memory_space<vmem>>, %arg8: memref<10000xf32, #tpu.memory_space<vmem>>, %arg9: memref<400xi32, #tpu.memory_space<vmem>>, %arg10: memref<400xi32, #tpu.memory_space<vmem>>, %arg11: memref<400xf32, #tpu.memory_space<vmem>>, %arg12: memref<!tpu.dma_semaphore, #tpu.memory_space<semaphore_mem>>) attributes {dimension_semantics = [#tpu.dimension_semantics<core_parallel>, #tpu.dimension_semantics<subcore_parallel>], iteration_bounds = array<i64: 2, 16>, scalar_prefetch = 0 : i64, scratch_operands = 6 : i64, tpu.core_type = #tpu.core_type<sc_vector_subcore>, window_params = [{transform_indices = #map}, {transform_indices = #map}, {transform_indices = #map}, {transform_indices = #map}, {transform_indices = #map}]} {
    %mul3A = arith.constant 2 : i32
    %mul3A_0 = arith.muli %arg1, %mul3A : i32
    %add3A = arith.addi %mul3A_0, %arg0 : i32
    "tpu.region"() ({
      %run_scoped3A = tpu.sem_alloc : memref<!tpu.dma_semaphore, #tpu.memory_space<semaphore_mem>>
      tpu.enqueue_dma source(%arg2 : memref<10000xf32, #tpu.memory_space<hbm>>) target(%arg7 : memref<10000xf32, #tpu.memory_space<vmem>>) target_semaphore(%run_scoped3A : memref<!tpu.dma_semaphore, #tpu.memory_space<semaphore_mem>>)
      tpu.wait_dma2 semaphore(%run_scoped3A : memref<!tpu.dma_semaphore, #tpu.memory_space<semaphore_mem>>) src(%arg2 : memref<10000xf32, #tpu.memory_space<hbm>>) dst(%arg7 : memref<10000xf32, #tpu.memory_space<vmem>>)
      tpu.yield
    }) : () -> ()
    "tpu.region"() ({
      %run_scoped3A = tpu.sem_alloc : memref<!tpu.dma_semaphore, #tpu.memory_space<semaphore_mem>>
      tpu.enqueue_dma source(%arg3 : memref<10000xf32, #tpu.memory_space<hbm>>) target(%arg8 : memref<10000xf32, #tpu.memory_space<vmem>>) target_semaphore(%run_scoped3A : memref<!tpu.dma_semaphore, #tpu.memory_space<semaphore_mem>>)
      tpu.wait_dma2 semaphore(%run_scoped3A : memref<!tpu.dma_semaphore, #tpu.memory_space<semaphore_mem>>) src(%arg3 : memref<10000xf32, #tpu.memory_space<hbm>>) dst(%arg8 : memref<10000xf32, #tpu.memory_space<vmem>>)
      tpu.yield
    }) : () -> ()
    %scan3A = arith.constant 0 : i32
    %scan3A_1 = arith.constant 8 : i32
    %scan3A_2 = arith.addi %scan3A, %scan3A_1 : i32
    %scan3A_3 = arith.constant 1 : i32
    scf.for %scan3A_5 = %scan3A to %scan3A_2 step %scan3A_3  : i32 {
      %mul3A_6 = arith.constant 1 : i32
      %mul3A_7 = arith.muli %scan3A_5, %mul3A_6 : i32
      %add3A_8 = arith.constant 0 : i32
      %add3A_9 = arith.addi %add3A_8, %mul3A_7 : i32
      %mul3A_10 = arith.constant 32 : i32
      %mul3A_11 = arith.muli %mul3A_10, %add3A_9 : i32
      %add3A_12 = arith.addi %add3A, %mul3A_11 : i32
      %lt3A = arith.constant 250 : i32
      %lt3A_13 = arith.cmpi slt, %add3A_12, %lt3A : i32
      %convert_element_type3A = arith.extui %lt3A_13 : i1 to i32
      %cond3A = arith.constant 0 : i32
      %cond3A_14 = arith.cmpi ne, %convert_element_type3A, %cond3A : i32
      scf.if %cond3A_14 {
        %mul3A_15 = arith.constant 400 : i32
        %mul3A_16 = arith.muli %add3A_12, %mul3A_15 : i32
        "tpu.region"() ({
          %run_scoped3A = tpu.sem_alloc : memref<!tpu.dma_semaphore, #tpu.memory_space<semaphore_mem>>
          %dma_start3A = tpu.memref_slice %arg4[%mul3A_16] : memref<100000xi32, #tpu.memory_space<hbm>> -> memref<400xi32, #tpu.memory_space<hbm>>
          %dma_start3A_239 = tpu.memref_slice %arg4[%mul3A_16] : memref<100000xi32, #tpu.memory_space<hbm>> -> memref<400xi32, #tpu.memory_space<hbm>>
          tpu.enqueue_dma source(%dma_start3A_239 : memref<400xi32, #tpu.memory_space<hbm>>) target(%arg9 : memref<400xi32, #tpu.memory_space<vmem>>) target_semaphore(%run_scoped3A : memref<!tpu.dma_semaphore, #tpu.memory_space<semaphore_mem>>)
          %dma_wait3A = tpu.memref_slice %arg4[%mul3A_16] : memref<100000xi32, #tpu.memory_space<hbm>> -> memref<400xi32, #tpu.memory_space<hbm>>
          %dma_wait3A_240 = tpu.memref_slice %arg4[%mul3A_16] : memref<100000xi32, #tpu.memory_space<hbm>> -> memref<400xi32, #tpu.memory_space<hbm>>
          tpu.wait_dma2 semaphore(%run_scoped3A : memref<!tpu.dma_semaphore, #tpu.memory_space<semaphore_mem>>) src(%dma_wait3A_240 : memref<400xi32, #tpu.memory_space<hbm>>) dst(%arg9 : memref<400xi32, #tpu.memory_space<vmem>>)
          tpu.yield
        }) : () -> ()
        "tpu.region"() ({
          %run_scoped3A = tpu.sem_alloc : memref<!tpu.dma_semaphore, #tpu.memory_space<semaphore_mem>>
          %dma_start3A = tpu.memref_slice %arg5[%mul3A_16] : memref<100000xi32, #tpu.memory_space<hbm>> -> memref<400xi32, #tpu.memory_space<hbm>>
          %dma_start3A_239 = tpu.memref_slice %arg5[%mul3A_16] : memref<100000xi32, #tpu.memory_space<hbm>> -> memref<400xi32, #tpu.memory_space<hbm>>
          tpu.enqueue_dma source(%dma_start3A_239 : memref<400xi32, #tpu.memory_space<hbm>>) target(%arg10 : memref<400xi32, #tpu.memory_space<vmem>>) target_semaphore(%run_scoped3A : memref<!tpu.dma_semaphore, #tpu.memory_space<semaphore_mem>>)
          %dma_wait3A = tpu.memref_slice %arg5[%mul3A_16] : memref<100000xi32, #tpu.memory_space<hbm>> -> memref<400xi32, #tpu.memory_space<hbm>>
          %dma_wait3A_240 = tpu.memref_slice %arg5[%mul3A_16] : memref<100000xi32, #tpu.memory_space<hbm>> -> memref<400xi32, #tpu.memory_space<hbm>>
          tpu.wait_dma2 semaphore(%run_scoped3A : memref<!tpu.dma_semaphore, #tpu.memory_space<semaphore_mem>>) src(%dma_wait3A_240 : memref<400xi32, #tpu.memory_space<hbm>>) dst(%arg10 : memref<400xi32, #tpu.memory_space<vmem>>)
          tpu.yield
        }) : () -> ()
        %get3A = arith.constant 0 : index
        %get3A_17 = tpu.vector_load %arg9[%get3A] {strides = array<i32>} : memref<400xi32, #tpu.memory_space<vmem>>, vector<16xi32>,
        %gather3A = tpu.vector_load_idx %arg7[%get3A_17] : memref<10000xf32, #tpu.memory_space<vmem>>[vector<16xi32>], vector<16xf32>,
        %get3A_18 = arith.constant 0 : index
        %get3A_19 = tpu.vector_load %arg10[%get3A_18] {strides = array<i32>} : memref<400xi32, #tpu.memory_space<vmem>>, vector<16xi32>,
        %gather3A_20 = tpu.vector_load_idx %arg8[%get3A_19] : memref<10000xf32, #tpu.memory_space<vmem>>[vector<16xi32>], vector<16xf32>,
        %add3A_21 = arith.addf %gather3A, %gather3A_20 : vector<16xf32>
        %swap3A = arith.constant 0 : index
        %swap3A_22 = tpu.vector_load %arg11[%swap3A] {strides = array<i32>} : memref<400xf32, #tpu.memory_space<vmem>>, vector<16xf32>,
        tpu.vector_store %arg11[%swap3A], %add3A_21 {strides = array<i32>} : memref<400xf32, #tpu.memory_space<vmem>>, vector<16xf32>,
        %get3A_23 = arith.constant 16 : index
        %get3A_24 = tpu.vector_load %arg9[%get3A_23] {strides = array<i32>} : memref<400xi32, #tpu.memory_space<vmem>>, vector<16xi32>,
        %gather3A_25 = tpu.vector_load_idx %arg7[%get3A_24] : memref<10000xf32, #tpu.memory_space<vmem>>[vector<16xi32>], vector<16xf32>,
        %get3A_26 = arith.constant 16 : index
        %get3A_27 = tpu.vector_load %arg10[%get3A_26] {strides = array<i32>} : memref<400xi32, #tpu.memory_space<vmem>>, vector<16xi32>,
        %gather3A_28 = tpu.vector_load_idx %arg8[%get3A_27] : memref<10000xf32, #tpu.memory_space<vmem>>[vector<16xi32>], vector<16xf32>,
        %add3A_29 = arith.addf %gather3A_25, %gather3A_28 : vector<16xf32>
        %swap3A_30 = arith.constant 16 : index
        %swap3A_31 = tpu.vector_load %arg11[%swap3A_30] {strides = array<i32>} : memref<400xf32, #tpu.memory_space<vmem>>, vector<16xf32>,
        tpu.vector_store %arg11[%swap3A_30], %add3A_29 {strides = array<i32>} : memref<400xf32, #tpu.memory_space<vmem>>, vector<16xf32>,
        %get3A_32 = arith.constant 32 : index
        %get3A_33 = tpu.vector_load %arg9[%get3A_32] {strides = array<i32>} : memref<400xi32, #tpu.memory_space<vmem>>, vector<16xi32>,
        %gather3A_34 = tpu.vector_load_idx %arg7[%get3A_33] : memref<10000xf32, #tpu.memory_space<vmem>>[vector<16xi32>], vector<16xf32>,
        %get3A_35 = arith.constant 32 : index
        %get3A_36 = tpu.vector_load %arg10[%get3A_35] {strides = array<i32>} : memref<400xi32, #tpu.memory_space<vmem>>, vector<16xi32>,
        %gather3A_37 = tpu.vector_load_idx %arg8[%get3A_36] : memref<10000xf32, #tpu.memory_space<vmem>>[vector<16xi32>], vector<16xf32>,
        %add3A_38 = arith.addf %gather3A_34, %gather3A_37 : vector<16xf32>
        %swap3A_39 = arith.constant 32 : index
        %swap3A_40 = tpu.vector_load %arg11[%swap3A_39] {strides = array<i32>} : memref<400xf32, #tpu.memory_space<vmem>>, vector<16xf32>,
        tpu.vector_store %arg11[%swap3A_39], %add3A_38 {strides = array<i32>} : memref<400xf32, #tpu.memory_space<vmem>>, vector<16xf32>,
        %get3A_41 = arith.constant 48 : index
        %get3A_42 = tpu.vector_load %arg9[%get3A_41] {strides = array<i32>} : memref<400xi32, #tpu.memory_space<vmem>>, vector<16xi32>,
        %gather3A_43 = tpu.vector_load_idx %arg7[%get3A_42] : memref<10000xf32, #tpu.memory_space<vmem>>[vector<16xi32>], vector<16xf32>,
        %get3A_44 = arith.constant 48 : index
        %get3A_45 = tpu.vector_load %arg10[%get3A_44] {strides = array<i32>} : memref<400xi32, #tpu.memory_space<vmem>>, vector<16xi32>,
        %gather3A_46 = tpu.vector_load_idx %arg8[%get3A_45] : memref<10000xf32, #tpu.memory_space<vmem>>[vector<16xi32>], vector<16xf32>,
        %add3A_47 = arith.addf %gather3A_43, %gather3A_46 : vector<16xf32>
        %swap3A_48 = arith.constant 48 : index
        %swap3A_49 = tpu.vector_load %arg11[%swap3A_48] {strides = array<i32>} : memref<400xf32, #tpu.memory_space<vmem>>, vector<16xf32>,
        tpu.vector_store %arg11[%swap3A_48], %add3A_47 {strides = array<i32>} : memref<400xf32, #tpu.memory_space<vmem>>, vector<16xf32>,
        %get3A_50 = arith.constant 64 : index
        %get3A_51 = tpu.vector_load %arg9[%get3A_50] {strides = array<i32>} : memref<400xi32, #tpu.memory_space<vmem>>, vector<16xi32>,
        %gather3A_52 = tpu.vector_load_idx %arg7[%get3A_51] : memref<10000xf32, #tpu.memory_space<vmem>>[vector<16xi32>], vector<16xf32>,
        %get3A_53 = arith.constant 64 : index
        %get3A_54 = tpu.vector_load %arg10[%get3A_53] {strides = array<i32>} : memref<400xi32, #tpu.memory_space<vmem>>, vector<16xi32>,
        %gather3A_55 = tpu.vector_load_idx %arg8[%get3A_54] : memref<10000xf32, #tpu.memory_space<vmem>>[vector<16xi32>], vector<16xf32>,
        %add3A_56 = arith.addf %gather3A_52, %gather3A_55 : vector<16xf32>
        %swap3A_57 = arith.constant 64 : index
        %swap3A_58 = tpu.vector_load %arg11[%swap3A_57] {strides = array<i32>} : memref<400xf32, #tpu.memory_space<vmem>>, vector<16xf32>,
        tpu.vector_store %arg11[%swap3A_57], %add3A_56 {strides = array<i32>} : memref<400xf32, #tpu.memory_space<vmem>>, vector<16xf32>,
        %get3A_59 = arith.constant 80 : index
        %get3A_60 = tpu.vector_load %arg9[%get3A_59] {strides = array<i32>} : memref<400xi32, #tpu.memory_space<vmem>>, vector<16xi32>,
        %gather3A_61 = tpu.vector_load_idx %arg7[%get3A_60] : memref<10000xf32, #tpu.memory_space<vmem>>[vector<16xi32>], vector<16xf32>,
        %get3A_62 = arith.constant 80 : index
        %get3A_63 = tpu.vector_load %arg10[%get3A_62] {strides = array<i32>} : memref<400xi32, #tpu.memory_space<vmem>>, vector<16xi32>,
        %gather3A_64 = tpu.vector_load_idx %arg8[%get3A_63] : memref<10000xf32, #tpu.memory_space<vmem>>[vector<16xi32>], vector<16xf32>,
        %add3A_65 = arith.addf %gather3A_61, %gather3A_64 : vector<16xf32>
        %swap3A_66 = arith.constant 80 : index
        %swap3A_67 = tpu.vector_load %arg11[%swap3A_66] {strides = array<i32>} : memref<400xf32, #tpu.memory_space<vmem>>, vector<16xf32>,
        tpu.vector_store %arg11[%swap3A_66], %add3A_65 {strides = array<i32>} : memref<400xf32, #tpu.memory_space<vmem>>, vector<16xf32>,
        %get3A_68 = arith.constant 96 : index
        %get3A_69 = tpu.vector_load %arg9[%get3A_68] {strides = array<i32>} : memref<400xi32, #tpu.memory_space<vmem>>, vector<16xi32>,
        %gather3A_70 = tpu.vector_load_idx %arg7[%get3A_69] : memref<10000xf32, #tpu.memory_space<vmem>>[vector<16xi32>], vector<16xf32>,
        %get3A_71 = arith.constant 96 : index
        %get3A_72 = tpu.vector_load %arg10[%get3A_71] {strides = array<i32>} : memref<400xi32, #tpu.memory_space<vmem>>, vector<16xi32>,
        %gather3A_73 = tpu.vector_load_idx %arg8[%get3A_72] : memref<10000xf32, #tpu.memory_space<vmem>>[vector<16xi32>], vector<16xf32>,
        %add3A_74 = arith.addf %gather3A_70, %gather3A_73 : vector<16xf32>
        %swap3A_75 = arith.constant 96 : index
        %swap3A_76 = tpu.vector_load %arg11[%swap3A_75] {strides = array<i32>} : memref<400xf32, #tpu.memory_space<vmem>>, vector<16xf32>,
        tpu.vector_store %arg11[%swap3A_75], %add3A_74 {strides = array<i32>} : memref<400xf32, #tpu.memory_space<vmem>>, vector<16xf32>,
        %get3A_77 = arith.constant 112 : index
        %get3A_78 = tpu.vector_load %arg9[%get3A_77] {strides = array<i32>} : memref<400xi32, #tpu.memory_space<vmem>>, vector<16xi32>,
        %gather3A_79 = tpu.vector_load_idx %arg7[%get3A_78] : memref<10000xf32, #tpu.memory_space<vmem>>[vector<16xi32>], vector<16xf32>,
        %get3A_80 = arith.constant 112 : index
        %get3A_81 = tpu.vector_load %arg10[%get3A_80] {strides = array<i32>} : memref<400xi32, #tpu.memory_space<vmem>>, vector<16xi32>,
        %gather3A_82 = tpu.vector_load_idx %arg8[%get3A_81] : memref<10000xf32, #tpu.memory_space<vmem>>[vector<16xi32>], vector<16xf32>,
        %add3A_83 = arith.addf %gather3A_79, %gather3A_82 : vector<16xf32>
        %swap3A_84 = arith.constant 112 : index
        %swap3A_85 = tpu.vector_load %arg11[%swap3A_84] {strides = array<i32>} : memref<400xf32, #tpu.memory_space<vmem>>, vector<16xf32>,
        tpu.vector_store %arg11[%swap3A_84], %add3A_83 {strides = array<i32>} : memref<400xf32, #tpu.memory_space<vmem>>, vector<16xf32>,
        %get3A_86 = arith.constant 128 : index
        %get3A_87 = tpu.vector_load %arg9[%get3A_86] {strides = array<i32>} : memref<400xi32, #tpu.memory_space<vmem>>, vector<16xi32>,
        %gather3A_88 = tpu.vector_load_idx %arg7[%get3A_87] : memref<10000xf32, #tpu.memory_space<vmem>>[vector<16xi32>], vector<16xf32>,
        %get3A_89 = arith.constant 128 : index
        %get3A_90 = tpu.vector_load %arg10[%get3A_89] {strides = array<i32>} : memref<400xi32, #tpu.memory_space<vmem>>, vector<16xi32>,
        %gather3A_91 = tpu.vector_load_idx %arg8[%get3A_90] : memref<10000xf32, #tpu.memory_space<vmem>>[vector<16xi32>], vector<16xf32>,
        %add3A_92 = arith.addf %gather3A_88, %gather3A_91 : vector<16xf32>
        %swap3A_93 = arith.constant 128 : index
        %swap3A_94 = tpu.vector_load %arg11[%swap3A_93] {strides = array<i32>} : memref<400xf32, #tpu.memory_space<vmem>>, vector<16xf32>,
        tpu.vector_store %arg11[%swap3A_93], %add3A_92 {strides = array<i32>} : memref<400xf32, #tpu.memory_space<vmem>>, vector<16xf32>,
        %get3A_95 = arith.constant 144 : index
        %get3A_96 = tpu.vector_load %arg9[%get3A_95] {strides = array<i32>} : memref<400xi32, #tpu.memory_space<vmem>>, vector<16xi32>,
        %gather3A_97 = tpu.vector_load_idx %arg7[%get3A_96] : memref<10000xf32, #tpu.memory_space<vmem>>[vector<16xi32>], vector<16xf32>,
        %get3A_98 = arith.constant 144 : index
        %get3A_99 = tpu.vector_load %arg10[%get3A_98] {strides = array<i32>} : memref<400xi32, #tpu.memory_space<vmem>>, vector<16xi32>,
        %gather3A_100 = tpu.vector_load_idx %arg8[%get3A_99] : memref<10000xf32, #tpu.memory_space<vmem>>[vector<16xi32>], vector<16xf32>,
        %add3A_101 = arith.addf %gather3A_97, %gather3A_100 : vector<16xf32>
        %swap3A_102 = arith.constant 144 : index
        %swap3A_103 = tpu.vector_load %arg11[%swap3A_102] {strides = array<i32>} : memref<400xf32, #tpu.memory_space<vmem>>, vector<16xf32>,
        tpu.vector_store %arg11[%swap3A_102], %add3A_101 {strides = array<i32>} : memref<400xf32, #tpu.memory_space<vmem>>, vector<16xf32>,
        %get3A_104 = arith.constant 160 : index
        %get3A_105 = tpu.vector_load %arg9[%get3A_104] {strides = array<i32>} : memref<400xi32, #tpu.memory_space<vmem>>, vector<16xi32>,
        %gather3A_106 = tpu.vector_load_idx %arg7[%get3A_105] : memref<10000xf32, #tpu.memory_space<vmem>>[vector<16xi32>], vector<16xf32>,
        %get3A_107 = arith.constant 160 : index
        %get3A_108 = tpu.vector_load %arg10[%get3A_107] {strides = array<i32>} : memref<400xi32, #tpu.memory_space<vmem>>, vector<16xi32>,
        %gather3A_109 = tpu.vector_load_idx %arg8[%get3A_108] : memref<10000xf32, #tpu.memory_space<vmem>>[vector<16xi32>], vector<16xf32>,
        %add3A_110 = arith.addf %gather3A_106, %gather3A_109 : vector<16xf32>
        %swap3A_111 = arith.constant 160 : index
        %swap3A_112 = tpu.vector_load %arg11[%swap3A_111] {strides = array<i32>} : memref<400xf32, #tpu.memory_space<vmem>>, vector<16xf32>,
        tpu.vector_store %arg11[%swap3A_111], %add3A_110 {strides = array<i32>} : memref<400xf32, #tpu.memory_space<vmem>>, vector<16xf32>,
        %get3A_113 = arith.constant 176 : index
        %get3A_114 = tpu.vector_load %arg9[%get3A_113] {strides = array<i32>} : memref<400xi32, #tpu.memory_space<vmem>>, vector<16xi32>,
        %gather3A_115 = tpu.vector_load_idx %arg7[%get3A_114] : memref<10000xf32, #tpu.memory_space<vmem>>[vector<16xi32>], vector<16xf32>,
        %get3A_116 = arith.constant 176 : index
        %get3A_117 = tpu.vector_load %arg10[%get3A_116] {strides = array<i32>} : memref<400xi32, #tpu.memory_space<vmem>>, vector<16xi32>,
        %gather3A_118 = tpu.vector_load_idx %arg8[%get3A_117] : memref<10000xf32, #tpu.memory_space<vmem>>[vector<16xi32>], vector<16xf32>,
        %add3A_119 = arith.addf %gather3A_115, %gather3A_118 : vector<16xf32>
        %swap3A_120 = arith.constant 176 : index
        %swap3A_121 = tpu.vector_load %arg11[%swap3A_120] {strides = array<i32>} : memref<400xf32, #tpu.memory_space<vmem>>, vector<16xf32>,
        tpu.vector_store %arg11[%swap3A_120], %add3A_119 {strides = array<i32>} : memref<400xf32, #tpu.memory_space<vmem>>, vector<16xf32>,
        %get3A_122 = arith.constant 192 : index
        %get3A_123 = tpu.vector_load %arg9[%get3A_122] {strides = array<i32>} : memref<400xi32, #tpu.memory_space<vmem>>, vector<16xi32>,
        %gather3A_124 = tpu.vector_load_idx %arg7[%get3A_123] : memref<10000xf32, #tpu.memory_space<vmem>>[vector<16xi32>], vector<16xf32>,
        %get3A_125 = arith.constant 192 : index
        %get3A_126 = tpu.vector_load %arg10[%get3A_125] {strides = array<i32>} : memref<400xi32, #tpu.memory_space<vmem>>, vector<16xi32>,
        %gather3A_127 = tpu.vector_load_idx %arg8[%get3A_126] : memref<10000xf32, #tpu.memory_space<vmem>>[vector<16xi32>], vector<16xf32>,
        %add3A_128 = arith.addf %gather3A_124, %gather3A_127 : vector<16xf32>
        %swap3A_129 = arith.constant 192 : index
        %swap3A_130 = tpu.vector_load %arg11[%swap3A_129] {strides = array<i32>} : memref<400xf32, #tpu.memory_space<vmem>>, vector<16xf32>,
        tpu.vector_store %arg11[%swap3A_129], %add3A_128 {strides = array<i32>} : memref<400xf32, #tpu.memory_space<vmem>>, vector<16xf32>,
        %get3A_131 = arith.constant 208 : index
        %get3A_132 = tpu.vector_load %arg9[%get3A_131] {strides = array<i32>} : memref<400xi32, #tpu.memory_space<vmem>>, vector<16xi32>,
        %gather3A_133 = tpu.vector_load_idx %arg7[%get3A_132] : memref<10000xf32, #tpu.memory_space<vmem>>[vector<16xi32>], vector<16xf32>,
        %get3A_134 = arith.constant 208 : index
        %get3A_135 = tpu.vector_load %arg10[%get3A_134] {strides = array<i32>} : memref<400xi32, #tpu.memory_space<vmem>>, vector<16xi32>,
        %gather3A_136 = tpu.vector_load_idx %arg8[%get3A_135] : memref<10000xf32, #tpu.memory_space<vmem>>[vector<16xi32>], vector<16xf32>,
        %add3A_137 = arith.addf %gather3A_133, %gather3A_136 : vector<16xf32>
        %swap3A_138 = arith.constant 208 : index
        %swap3A_139 = tpu.vector_load %arg11[%swap3A_138] {strides = array<i32>} : memref<400xf32, #tpu.memory_space<vmem>>, vector<16xf32>,
        tpu.vector_store %arg11[%swap3A_138], %add3A_137 {strides = array<i32>} : memref<400xf32, #tpu.memory_space<vmem>>, vector<16xf32>,
        %get3A_140 = arith.constant 224 : index
        %get3A_141 = tpu.vector_load %arg9[%get3A_140] {strides = array<i32>} : memref<400xi32, #tpu.memory_space<vmem>>, vector<16xi32>,
        %gather3A_142 = tpu.vector_load_idx %arg7[%get3A_141] : memref<10000xf32, #tpu.memory_space<vmem>>[vector<16xi32>], vector<16xf32>,
        %get3A_143 = arith.constant 224 : index
        %get3A_144 = tpu.vector_load %arg10[%get3A_143] {strides = array<i32>} : memref<400xi32, #tpu.memory_space<vmem>>, vector<16xi32>,
        %gather3A_145 = tpu.vector_load_idx %arg8[%get3A_144] : memref<10000xf32, #tpu.memory_space<vmem>>[vector<16xi32>], vector<16xf32>,
        %add3A_146 = arith.addf %gather3A_142, %gather3A_145 : vector<16xf32>
        %swap3A_147 = arith.constant 224 : index
        %swap3A_148 = tpu.vector_load %arg11[%swap3A_147] {strides = array<i32>} : memref<400xf32, #tpu.memory_space<vmem>>, vector<16xf32>,
        tpu.vector_store %arg11[%swap3A_147], %add3A_146 {strides = array<i32>} : memref<400xf32, #tpu.memory_space<vmem>>, vector<16xf32>,
        %get3A_149 = arith.constant 240 : index
        %get3A_150 = tpu.vector_load %arg9[%get3A_149] {strides = array<i32>} : memref<400xi32, #tpu.memory_space<vmem>>, vector<16xi32>,
        %gather3A_151 = tpu.vector_load_idx %arg7[%get3A_150] : memref<10000xf32, #tpu.memory_space<vmem>>[vector<16xi32>], vector<16xf32>,
        %get3A_152 = arith.constant 240 : index
        %get3A_153 = tpu.vector_load %arg10[%get3A_152] {strides = array<i32>} : memref<400xi32, #tpu.memory_space<vmem>>, vector<16xi32>,
        %gather3A_154 = tpu.vector_load_idx %arg8[%get3A_153] : memref<10000xf32, #tpu.memory_space<vmem>>[vector<16xi32>], vector<16xf32>,
        %add3A_155 = arith.addf %gather3A_151, %gather3A_154 : vector<16xf32>
        %swap3A_156 = arith.constant 240 : index
        %swap3A_157 = tpu.vector_load %arg11[%swap3A_156] {strides = array<i32>} : memref<400xf32, #tpu.memory_space<vmem>>, vector<16xf32>,
        tpu.vector_store %arg11[%swap3A_156], %add3A_155 {strides = array<i32>} : memref<400xf32, #tpu.memory_space<vmem>>, vector<16xf32>,
        %get3A_158 = arith.constant 256 : index
        %get3A_159 = tpu.vector_load %arg9[%get3A_158] {strides = array<i32>} : memref<400xi32, #tpu.memory_space<vmem>>, vector<16xi32>,
        %gather3A_160 = tpu.vector_load_idx %arg7[%get3A_159] : memref<10000xf32, #tpu.memory_space<vmem>>[vector<16xi32>], vector<16xf32>,
        %get3A_161 = arith.constant 256 : index
        %get3A_162 = tpu.vector_load %arg10[%get3A_161] {strides = array<i32>} : memref<400xi32, #tpu.memory_space<vmem>>, vector<16xi32>,
        %gather3A_163 = tpu.vector_load_idx %arg8[%get3A_162] : memref<10000xf32, #tpu.memory_space<vmem>>[vector<16xi32>], vector<16xf32>,
        %add3A_164 = arith.addf %gather3A_160, %gather3A_163 : vector<16xf32>
        %swap3A_165 = arith.constant 256 : index
        %swap3A_166 = tpu.vector_load %arg11[%swap3A_165] {strides = array<i32>} : memref<400xf32, #tpu.memory_space<vmem>>, vector<16xf32>,
        tpu.vector_store %arg11[%swap3A_165], %add3A_164 {strides = array<i32>} : memref<400xf32, #tpu.memory_space<vmem>>, vector<16xf32>,
        %get3A_167 = arith.constant 272 : index
        %get3A_168 = tpu.vector_load %arg9[%get3A_167] {strides = array<i32>} : memref<400xi32, #tpu.memory_space<vmem>>, vector<16xi32>,
        %gather3A_169 = tpu.vector_load_idx %arg7[%get3A_168] : memref<10000xf32, #tpu.memory_space<vmem>>[vector<16xi32>], vector<16xf32>,
        %get3A_170 = arith.constant 272 : index
        %get3A_171 = tpu.vector_load %arg10[%get3A_170] {strides = array<i32>} : memref<400xi32, #tpu.memory_space<vmem>>, vector<16xi32>,
        %gather3A_172 = tpu.vector_load_idx %arg8[%get3A_171] : memref<10000xf32, #tpu.memory_space<vmem>>[vector<16xi32>], vector<16xf32>,
        %add3A_173 = arith.addf %gather3A_169, %gather3A_172 : vector<16xf32>
        %swap3A_174 = arith.constant 272 : index
        %swap3A_175 = tpu.vector_load %arg11[%swap3A_174] {strides = array<i32>} : memref<400xf32, #tpu.memory_space<vmem>>, vector<16xf32>,
        tpu.vector_store %arg11[%swap3A_174], %add3A_173 {strides = array<i32>} : memref<400xf32, #tpu.memory_space<vmem>>, vector<16xf32>,
        %get3A_176 = arith.constant 288 : index
        %get3A_177 = tpu.vector_load %arg9[%get3A_176] {strides = array<i32>} : memref<400xi32, #tpu.memory_space<vmem>>, vector<16xi32>,
        %gather3A_178 = tpu.vector_load_idx %arg7[%get3A_177] : memref<10000xf32, #tpu.memory_space<vmem>>[vector<16xi32>], vector<16xf32>,
        %get3A_179 = arith.constant 288 : index
        %get3A_180 = tpu.vector_load %arg10[%get3A_179] {strides = array<i32>} : memref<400xi32, #tpu.memory_space<vmem>>, vector<16xi32>,
        %gather3A_181 = tpu.vector_load_idx %arg8[%get3A_180] : memref<10000xf32, #tpu.memory_space<vmem>>[vector<16xi32>], vector<16xf32>,
        %add3A_182 = arith.addf %gather3A_178, %gather3A_181 : vector<16xf32>
        %swap3A_183 = arith.constant 288 : index
        %swap3A_184 = tpu.vector_load %arg11[%swap3A_183] {strides = array<i32>} : memref<400xf32, #tpu.memory_space<vmem>>, vector<16xf32>,
        tpu.vector_store %arg11[%swap3A_183], %add3A_182 {strides = array<i32>} : memref<400xf32, #tpu.memory_space<vmem>>, vector<16xf32>,
        %get3A_185 = arith.constant 304 : index
        %get3A_186 = tpu.vector_load %arg9[%get3A_185] {strides = array<i32>} : memref<400xi32, #tpu.memory_space<vmem>>, vector<16xi32>,
        %gather3A_187 = tpu.vector_load_idx %arg7[%get3A_186] : memref<10000xf32, #tpu.memory_space<vmem>>[vector<16xi32>], vector<16xf32>,
        %get3A_188 = arith.constant 304 : index
        %get3A_189 = tpu.vector_load %arg10[%get3A_188] {strides = array<i32>} : memref<400xi32, #tpu.memory_space<vmem>>, vector<16xi32>,
        %gather3A_190 = tpu.vector_load_idx %arg8[%get3A_189] : memref<10000xf32, #tpu.memory_space<vmem>>[vector<16xi32>], vector<16xf32>,
        %add3A_191 = arith.addf %gather3A_187, %gather3A_190 : vector<16xf32>
        %swap3A_192 = arith.constant 304 : index
        %swap3A_193 = tpu.vector_load %arg11[%swap3A_192] {strides = array<i32>} : memref<400xf32, #tpu.memory_space<vmem>>, vector<16xf32>,
        tpu.vector_store %arg11[%swap3A_192], %add3A_191 {strides = array<i32>} : memref<400xf32, #tpu.memory_space<vmem>>, vector<16xf32>,
        %get3A_194 = arith.constant 320 : index
        %get3A_195 = tpu.vector_load %arg9[%get3A_194] {strides = array<i32>} : memref<400xi32, #tpu.memory_space<vmem>>, vector<16xi32>,
        %gather3A_196 = tpu.vector_load_idx %arg7[%get3A_195] : memref<10000xf32, #tpu.memory_space<vmem>>[vector<16xi32>], vector<16xf32>,
        %get3A_197 = arith.constant 320 : index
        %get3A_198 = tpu.vector_load %arg10[%get3A_197] {strides = array<i32>} : memref<400xi32, #tpu.memory_space<vmem>>, vector<16xi32>,
        %gather3A_199 = tpu.vector_load_idx %arg8[%get3A_198] : memref<10000xf32, #tpu.memory_space<vmem>>[vector<16xi32>], vector<16xf32>,
        %add3A_200 = arith.addf %gather3A_196, %gather3A_199 : vector<16xf32>
        %swap3A_201 = arith.constant 320 : index
        %swap3A_202 = tpu.vector_load %arg11[%swap3A_201] {strides = array<i32>} : memref<400xf32, #tpu.memory_space<vmem>>, vector<16xf32>,
        tpu.vector_store %arg11[%swap3A_201], %add3A_200 {strides = array<i32>} : memref<400xf32, #tpu.memory_space<vmem>>, vector<16xf32>,
        %get3A_203 = arith.constant 336 : index
        %get3A_204 = tpu.vector_load %arg9[%get3A_203] {strides = array<i32>} : memref<400xi32, #tpu.memory_space<vmem>>, vector<16xi32>,
        %gather3A_205 = tpu.vector_load_idx %arg7[%get3A_204] : memref<10000xf32, #tpu.memory_space<vmem>>[vector<16xi32>], vector<16xf32>,
        %get3A_206 = arith.constant 336 : index
        %get3A_207 = tpu.vector_load %arg10[%get3A_206] {strides = array<i32>} : memref<400xi32, #tpu.memory_space<vmem>>, vector<16xi32>,
        %gather3A_208 = tpu.vector_load_idx %arg8[%get3A_207] : memref<10000xf32, #tpu.memory_space<vmem>>[vector<16xi32>], vector<16xf32>,
        %add3A_209 = arith.addf %gather3A_205, %gather3A_208 : vector<16xf32>
        %swap3A_210 = arith.constant 336 : index
        %swap3A_211 = tpu.vector_load %arg11[%swap3A_210] {strides = array<i32>} : memref<400xf32, #tpu.memory_space<vmem>>, vector<16xf32>,
        tpu.vector_store %arg11[%swap3A_210], %add3A_209 {strides = array<i32>} : memref<400xf32, #tpu.memory_space<vmem>>, vector<16xf32>,
        %get3A_212 = arith.constant 352 : index
        %get3A_213 = tpu.vector_load %arg9[%get3A_212] {strides = array<i32>} : memref<400xi32, #tpu.memory_space<vmem>>, vector<16xi32>,
        %gather3A_214 = tpu.vector_load_idx %arg7[%get3A_213] : memref<10000xf32, #tpu.memory_space<vmem>>[vector<16xi32>], vector<16xf32>,
        %get3A_215 = arith.constant 352 : index
        %get3A_216 = tpu.vector_load %arg10[%get3A_215] {strides = array<i32>} : memref<400xi32, #tpu.memory_space<vmem>>, vector<16xi32>,
        %gather3A_217 = tpu.vector_load_idx %arg8[%get3A_216] : memref<10000xf32, #tpu.memory_space<vmem>>[vector<16xi32>], vector<16xf32>,
        %add3A_218 = arith.addf %gather3A_214, %gather3A_217 : vector<16xf32>
        %swap3A_219 = arith.constant 352 : index
        %swap3A_220 = tpu.vector_load %arg11[%swap3A_219] {strides = array<i32>} : memref<400xf32, #tpu.memory_space<vmem>>, vector<16xf32>,
        tpu.vector_store %arg11[%swap3A_219], %add3A_218 {strides = array<i32>} : memref<400xf32, #tpu.memory_space<vmem>>, vector<16xf32>,
        %get3A_221 = arith.constant 368 : index
        %get3A_222 = tpu.vector_load %arg9[%get3A_221] {strides = array<i32>} : memref<400xi32, #tpu.memory_space<vmem>>, vector<16xi32>,
        %gather3A_223 = tpu.vector_load_idx %arg7[%get3A_222] : memref<10000xf32, #tpu.memory_space<vmem>>[vector<16xi32>], vector<16xf32>,
        %get3A_224 = arith.constant 368 : index
        %get3A_225 = tpu.vector_load %arg10[%get3A_224] {strides = array<i32>} : memref<400xi32, #tpu.memory_space<vmem>>, vector<16xi32>,
        %gather3A_226 = tpu.vector_load_idx %arg8[%get3A_225] : memref<10000xf32, #tpu.memory_space<vmem>>[vector<16xi32>], vector<16xf32>,
        %add3A_227 = arith.addf %gather3A_223, %gather3A_226 : vector<16xf32>
        %swap3A_228 = arith.constant 368 : index
        %swap3A_229 = tpu.vector_load %arg11[%swap3A_228] {strides = array<i32>} : memref<400xf32, #tpu.memory_space<vmem>>, vector<16xf32>,
        tpu.vector_store %arg11[%swap3A_228], %add3A_227 {strides = array<i32>} : memref<400xf32, #tpu.memory_space<vmem>>, vector<16xf32>,
        %get3A_230 = arith.constant 384 : index
        %get3A_231 = tpu.vector_load %arg9[%get3A_230] {strides = array<i32>} : memref<400xi32, #tpu.memory_space<vmem>>, vector<16xi32>,
        %gather3A_232 = tpu.vector_load_idx %arg7[%get3A_231] : memref<10000xf32, #tpu.memory_space<vmem>>[vector<16xi32>], vector<16xf32>,
        %get3A_233 = arith.constant 384 : index
        %get3A_234 = tpu.vector_load %arg10[%get3A_233] {strides = array<i32>} : memref<400xi32, #tpu.memory_space<vmem>>, vector<16xi32>,
        %gather3A_235 = tpu.vector_load_idx %arg8[%get3A_234] : memref<10000xf32, #tpu.memory_space<vmem>>[vector<16xi32>], vector<16xf32>,
        %add3A_236 = arith.addf %gather3A_232, %gather3A_235 : vector<16xf32>
        %swap3A_237 = arith.constant 384 : index
        %swap3A_238 = tpu.vector_load %arg11[%swap3A_237] {strides = array<i32>} : memref<400xf32, #tpu.memory_space<vmem>>, vector<16xf32>,
        tpu.vector_store %arg11[%swap3A_237], %add3A_236 {strides = array<i32>} : memref<400xf32, #tpu.memory_space<vmem>>, vector<16xf32>,
        "tpu.region"() ({
          %run_scoped3A = tpu.sem_alloc : memref<!tpu.dma_semaphore, #tpu.memory_space<semaphore_mem>>
          %dma_start3A = tpu.memref_slice %arg6[%mul3A_16] : memref<100000xf32, #tpu.memory_space<hbm>> -> memref<400xf32, #tpu.memory_space<hbm>>
          %dma_start3A_239 = tpu.memref_slice %arg6[%mul3A_16] : memref<100000xf32, #tpu.memory_space<hbm>> -> memref<400xf32, #tpu.memory_space<hbm>>
          tpu.enqueue_dma source(%arg11 : memref<400xf32, #tpu.memory_space<vmem>>) target(%dma_start3A_239 : memref<400xf32, #tpu.memory_space<hbm>>) target_semaphore(%run_scoped3A : memref<!tpu.dma_semaphore, #tpu.memory_space<semaphore_mem>>)
          %dma_wait3A = tpu.memref_slice %arg6[%mul3A_16] : memref<100000xf32, #tpu.memory_space<hbm>> -> memref<400xf32, #tpu.memory_space<hbm>>
          %dma_wait3A_240 = tpu.memref_slice %arg6[%mul3A_16] : memref<100000xf32, #tpu.memory_space<hbm>> -> memref<400xf32, #tpu.memory_space<hbm>>
          tpu.wait_dma2 semaphore(%run_scoped3A : memref<!tpu.dma_semaphore, #tpu.memory_space<semaphore_mem>>) src(%arg11 : memref<400xf32, #tpu.memory_space<vmem>>) dst(%dma_wait3A_240 : memref<400xf32, #tpu.memory_space<hbm>>)
          tpu.yield
        }) : () -> ()
      } else {
      }
    }
    %scan3A_4 = arith.constant 8 : i32
    return
  }
}

module attributes {stable_mosaic.version = 14 : i64} {
  func.func @_mmt_body(%arg0: i32, %arg1: memref<10000x128xf32, #tpu.memory_space<vmem>>, %arg2: memref<128x64xf32, #tpu.memory_space<vmem>>, %arg3: memref<64x10000xf32, #tpu.memory_space<vmem>>) attributes {dimension_semantics = [#tpu.dimension_semantics<arbitrary>], iteration_bounds = array<i64: 1>, scalar_prefetch = 0 : i64, scratch_operands = 0 : i64, tpu.core_type = #tpu.core_type<tc>, window_params = [{transform_indices = @transform_0, window_bounds = array<i64: 10000, 128>}, {pipeline_mode = #tpu.pipeline_mode<synchronous>, transform_indices = @transform_1, window_bounds = array<i64: 128, 64>}, {transform_indices = @transform_2, window_bounds = array<i64: 64, 10000>}]} {
    %get3A = arith.constant 0 : index
    %get3A_0 = arith.constant 0 : index
    %get3A_1 = vector.load %arg1[%get3A, %get3A_0] : memref<10000x128xf32, #tpu.memory_space<vmem>>, vector<10000x128xf32>
    %get3A_2 = arith.constant 0 : index
    %get3A_3 = arith.constant 0 : index
    %get3A_4 = vector.load %arg2[%get3A_2, %get3A_3] : memref<128x64xf32, #tpu.memory_space<vmem>>, vector<128x64xf32>
    %dot_general3A = arith.constant dense<0.000000e+00> : vector<10000x64xf32>
    %dot_general3A_5 = tpu.matmul %get3A_1, %get3A_4, %dot_general3A {dimension_numbers = #tpu.dot_dimension_numbers<[1], [0], [0], [1], [0, 0, 1, 1], [], []>, transpose_lhs_hint = false} : vector<10000x128xf32>, vector<128x64xf32>, vector<10000x64xf32> -> vector<10000x64xf32>
    %transpose3A = tpu.transpose %dot_general3A_5, [1, 0] : vector<10000x64xf32> -> vector<64x10000xf32>
    %swap3A = arith.constant 0 : index
    %swap3A_6 = arith.constant 0 : index
    %swap3A_7 = vector.load %arg3[%swap3A, %swap3A_6] : memref<64x10000xf32, #tpu.memory_space<vmem>>, vector<64x10000xf32>
    tpu.vector_store %arg3[%swap3A, %swap3A_6], %transpose3A {strides = array<i32>} : memref<64x10000xf32, #tpu.memory_space<vmem>>, vector<64x10000xf32>,
    return
  }
  func.func @transform_0(%arg0: i32) -> (i32, i32) {
    %c0_i32 = arith.constant 0 : i32
    %c0_i32_0 = arith.constant 0 : i32
    return %arg0, %c0_i32 : i32, i32
  }
  func.func @transform_1(%arg0: i32) -> (i32, i32) {
    %c0_i32 = arith.constant 0 : i32
    %c0_i32_0 = arith.constant 0 : i32
    %c0_i32_1 = arith.constant 0 : i32
    return %c0_i32, %c0_i32_0 : i32, i32
  }
  func.func @transform_2(%arg0: i32) -> (i32, i32) {
    %c0_i32 = arith.constant 0 : i32
    %c0_i32_0 = arith.constant 0 : i32
    return %c0_i32, %arg0 : i32, i32
  }
}

module attributes {stable_mosaic.version = 14 : i64} {
  func.func @_comb_body(%arg0: i32, %arg1: memref<2x64x10000xf32, #tpu.memory_space<vmem>>, %arg2: memref<1x64xf32, #tpu.memory_space<vmem>>, %arg3: memref<64x32xf32, #tpu.memory_space<vmem>>, %arg4: memref<32x10000xf32, #tpu.memory_space<vmem>>) attributes {dimension_semantics = [#tpu.dimension_semantics<arbitrary>], iteration_bounds = array<i64: 1>, scalar_prefetch = 0 : i64, scratch_operands = 0 : i64, tpu.core_type = #tpu.core_type<tc>, window_params = [{transform_indices = @transform_0, window_bounds = array<i64: 2, 64, 10000>}, {pipeline_mode = #tpu.pipeline_mode<synchronous>, transform_indices = @transform_1, window_bounds = array<i64: 1, 64>}, {pipeline_mode = #tpu.pipeline_mode<synchronous>, transform_indices = @transform_2, window_bounds = array<i64: 64, 32>}, {transform_indices = @transform_3, window_bounds = array<i64: 32, 10000>}]} {
    %get3A = arith.constant 0 : index
    %get3A_0 = arith.constant 0 : index
    %get3A_1 = arith.constant 0 : index
    %get3A_2 = vector.load %arg1[%get3A, %get3A_0, %get3A_1] : memref<2x64x10000xf32, #tpu.memory_space<vmem>>, vector<1x64x10000xf32>
    %get3A_3 = vector.shape_cast %get3A_2 : vector<1x64x10000xf32> to vector<64x10000xf32>
    %get3A_4 = arith.constant 1 : index
    %get3A_5 = arith.constant 0 : index
    %get3A_6 = arith.constant 0 : index
    %get3A_7 = vector.load %arg1[%get3A_4, %get3A_5, %get3A_6] : memref<2x64x10000xf32, #tpu.memory_space<vmem>>, vector<1x64x10000xf32>
    %get3A_8 = vector.shape_cast %get3A_7 : vector<1x64x10000xf32> to vector<64x10000xf32>
    %add3A = arith.addf %get3A_3, %get3A_8 : vector<64x10000xf32>
    %transpose3A = tpu.transpose %add3A, [1, 0] : vector<64x10000xf32> -> vector<10000x64xf32>
    %get3A_9 = arith.constant 0 : index
    %get3A_10 = arith.constant 0 : index
    %get3A_11 = vector.load %arg2[%get3A_9, %get3A_10] : memref<1x64xf32, #tpu.memory_space<vmem>>, vector<1x64xf32>
    %add3A_12 = vector.broadcast %get3A_11 : vector<1x64xf32> to vector<10000x64xf32>
    %add3A_13 = arith.addf %transpose3A, %add3A_12 : vector<10000x64xf32>
    %max3A = arith.constant 0.000000e+00 : f32
    %max3A_14 = vector.broadcast %max3A : f32 to vector<10000x64xf32>
    %max3A_15 = arith.maximumf %add3A_13, %max3A_14 : vector<10000x64xf32>
    %get3A_16 = arith.constant 0 : index
    %get3A_17 = arith.constant 0 : index
    %get3A_18 = vector.load %arg3[%get3A_16, %get3A_17] : memref<64x32xf32, #tpu.memory_space<vmem>>, vector<64x32xf32>
    %dot_general3A = arith.constant dense<0.000000e+00> : vector<10000x32xf32>
    %dot_general3A_19 = tpu.matmul %max3A_15, %get3A_18, %dot_general3A {dimension_numbers = #tpu.dot_dimension_numbers<[1], [0], [0], [1], [0, 0, 1, 1], [], []>, transpose_lhs_hint = false} : vector<10000x64xf32>, vector<64x32xf32>, vector<10000x32xf32> -> vector<10000x32xf32>
    %transpose3A_20 = tpu.transpose %dot_general3A_19, [1, 0] : vector<10000x32xf32> -> vector<32x10000xf32>
    %swap3A = arith.constant 0 : index
    %swap3A_21 = arith.constant 0 : index
    %swap3A_22 = vector.load %arg4[%swap3A, %swap3A_21] : memref<32x10000xf32, #tpu.memory_space<vmem>>, vector<32x10000xf32>
    tpu.vector_store %arg4[%swap3A, %swap3A_21], %transpose3A_20 {strides = array<i32>} : memref<32x10000xf32, #tpu.memory_space<vmem>>, vector<32x10000xf32>,
    return
  }
  func.func @transform_0(%arg0: i32) -> (i32, i32, i32) {
    %c0_i32 = arith.constant 0 : i32
    %c0_i32_0 = arith.constant 0 : i32
    %c0_i32_1 = arith.constant 0 : i32
    return %c0_i32, %c0_i32_0, %arg0 : i32, i32, i32
  }
  func.func @transform_1(%arg0: i32) -> (i32, i32) {
    %c0_i32 = arith.constant 0 : i32
    %c0_i32_0 = arith.constant 0 : i32
    %c0_i32_1 = arith.constant 0 : i32
    return %c0_i32, %c0_i32_0 : i32, i32
  }
  func.func @transform_2(%arg0: i32) -> (i32, i32) {
    %c0_i32 = arith.constant 0 : i32
    %c0_i32_0 = arith.constant 0 : i32
    %c0_i32_1 = arith.constant 0 : i32
    return %c0_i32, %c0_i32_0 : i32, i32
  }
  func.func @transform_3(%arg0: i32) -> (i32, i32) {
    %c0_i32 = arith.constant 0 : i32
    %c0_i32_0 = arith.constant 0 : i32
    return %c0_i32, %arg0 : i32, i32
  }
}

module attributes {stable_mosaic.version = 14 : i64} {
  func.func @_decode_proj_body(%arg0: i32, %arg1: memref<4x32x10000xf32, #tpu.memory_space<vmem>>, %arg2: memref<1x32xf32, #tpu.memory_space<vmem>>, %arg3: memref<32x2xf32, #tpu.memory_space<vmem>>, %arg4: memref<1x2xf32, #tpu.memory_space<vmem>>, %arg5: memref<10000x1xf32, #tpu.memory_space<vmem>>, %arg6: memref<10000x1xf32, #tpu.memory_space<vmem>>) attributes {dimension_semantics = [#tpu.dimension_semantics<arbitrary>], iteration_bounds = array<i64: 1>, scalar_prefetch = 0 : i64, scratch_operands = 0 : i64, tpu.core_type = #tpu.core_type<tc>, window_params = [{transform_indices = @transform_0, window_bounds = array<i64: 4, 32, 10000>}, {pipeline_mode = #tpu.pipeline_mode<synchronous>, transform_indices = @transform_1, window_bounds = array<i64: 1, 32>}, {pipeline_mode = #tpu.pipeline_mode<synchronous>, transform_indices = @transform_2, window_bounds = array<i64: 32, 2>}, {pipeline_mode = #tpu.pipeline_mode<synchronous>, transform_indices = @transform_3, window_bounds = array<i64: 1, 2>}, {transform_indices = @transform_4, window_bounds = array<i64: 10000, 1>}, {transform_indices = @transform_5, window_bounds = array<i64: 10000, 1>}]} {
    %get3A = arith.constant 0 : index
    %get3A_0 = arith.constant 0 : index
    %get3A_1 = arith.constant 0 : index
    %get3A_2 = vector.load %arg1[%get3A, %get3A_0, %get3A_1] : memref<4x32x10000xf32, #tpu.memory_space<vmem>>, vector<1x32x10000xf32>
    %get3A_3 = vector.shape_cast %get3A_2 : vector<1x32x10000xf32> to vector<32x10000xf32>
    %get3A_4 = arith.constant 1 : index
    %get3A_5 = arith.constant 0 : index
    %get3A_6 = arith.constant 0 : index
    %get3A_7 = vector.load %arg1[%get3A_4, %get3A_5, %get3A_6] : memref<4x32x10000xf32, #tpu.memory_space<vmem>>, vector<1x32x10000xf32>
    %get3A_8 = vector.shape_cast %get3A_7 : vector<1x32x10000xf32> to vector<32x10000xf32>
    %add3A = arith.addf %get3A_3, %get3A_8 : vector<32x10000xf32>
    %get3A_9 = arith.constant 2 : index
    %get3A_10 = arith.constant 0 : index
    %get3A_11 = arith.constant 0 : index
    %get3A_12 = vector.load %arg1[%get3A_9, %get3A_10, %get3A_11] : memref<4x32x10000xf32, #tpu.memory_space<vmem>>, vector<1x32x10000xf32>
    %get3A_13 = vector.shape_cast %get3A_12 : vector<1x32x10000xf32> to vector<32x10000xf32>
    %add3A_14 = arith.addf %add3A, %get3A_13 : vector<32x10000xf32>
    %get3A_15 = arith.constant 3 : index
    %get3A_16 = arith.constant 0 : index
    %get3A_17 = arith.constant 0 : index
    %get3A_18 = vector.load %arg1[%get3A_15, %get3A_16, %get3A_17] : memref<4x32x10000xf32, #tpu.memory_space<vmem>>, vector<1x32x10000xf32>
    %get3A_19 = vector.shape_cast %get3A_18 : vector<1x32x10000xf32> to vector<32x10000xf32>
    %add3A_20 = arith.addf %add3A_14, %get3A_19 : vector<32x10000xf32>
    %transpose3A = tpu.transpose %add3A_20, [1, 0] : vector<32x10000xf32> -> vector<10000x32xf32>
    %get3A_21 = arith.constant 0 : index
    %get3A_22 = arith.constant 0 : index
    %get3A_23 = vector.load %arg2[%get3A_21, %get3A_22] : memref<1x32xf32, #tpu.memory_space<vmem>>, vector<1x32xf32>
    %add3A_24 = vector.broadcast %get3A_23 : vector<1x32xf32> to vector<10000x32xf32>
    %add3A_25 = arith.addf %transpose3A, %add3A_24 : vector<10000x32xf32>
    %max3A = arith.constant 0.000000e+00 : f32
    %max3A_26 = vector.broadcast %max3A : f32 to vector<10000x32xf32>
    %max3A_27 = arith.maximumf %add3A_25, %max3A_26 : vector<10000x32xf32>
    %get3A_28 = arith.constant 0 : index
    %get3A_29 = arith.constant 0 : index
    %get3A_30 = vector.load %arg3[%get3A_28, %get3A_29] : memref<32x2xf32, #tpu.memory_space<vmem>>, vector<32x2xf32>
    %dot_general3A = arith.constant dense<0.000000e+00> : vector<10000x2xf32>
    %dot_general3A_31 = tpu.matmul %max3A_27, %get3A_30, %dot_general3A {dimension_numbers = #tpu.dot_dimension_numbers<[1], [0], [0], [1], [0, 0, 1, 1], [], []>, transpose_lhs_hint = false} : vector<10000x32xf32>, vector<32x2xf32>, vector<10000x2xf32> -> vector<10000x2xf32>
    %get3A_32 = arith.constant 0 : index
    %get3A_33 = arith.constant 0 : index
    %get3A_34 = vector.load %arg4[%get3A_32, %get3A_33] : memref<1x2xf32, #tpu.memory_space<vmem>>, vector<1x2xf32>
    %add3A_35 = vector.broadcast %get3A_34 : vector<1x2xf32> to vector<10000x2xf32>
    %add3A_36 = arith.addf %dot_general3A_31, %add3A_35 : vector<10000x2xf32>
    %slice3A = vector.extract_strided_slice %add3A_36 {offsets = [0, 0], sizes = [10000, 1], strides = [1, 1]} : vector<10000x2xf32> to vector<10000x1xf32>
    %swap3A = arith.constant 0 : index
    %swap3A_37 = arith.constant 0 : index
    %swap3A_38 = vector.load %arg5[%swap3A, %swap3A_37] : memref<10000x1xf32, #tpu.memory_space<vmem>>, vector<10000x1xf32>
    tpu.vector_store %arg5[%swap3A, %swap3A_37], %slice3A {strides = array<i32>} : memref<10000x1xf32, #tpu.memory_space<vmem>>, vector<10000x1xf32>,
    %slice3A_39 = vector.extract_strided_slice %add3A_36 {offsets = [0, 1], sizes = [10000, 1], strides = [1, 1]} : vector<10000x2xf32> to vector<10000x1xf32>
    %swap3A_40 = arith.constant 0 : index
    %swap3A_41 = arith.constant 0 : index
    %swap3A_42 = vector.load %arg6[%swap3A_40, %swap3A_41] : memref<10000x1xf32, #tpu.memory_space<vmem>>, vector<10000x1xf32>
    tpu.vector_store %arg6[%swap3A_40, %swap3A_41], %slice3A_39 {strides = array<i32>} : memref<10000x1xf32, #tpu.memory_space<vmem>>, vector<10000x1xf32>,
    return
  }
  func.func @transform_0(%arg0: i32) -> (i32, i32, i32) {
    %c0_i32 = arith.constant 0 : i32
    %c0_i32_0 = arith.constant 0 : i32
    %c0_i32_1 = arith.constant 0 : i32
    return %c0_i32, %c0_i32_0, %arg0 : i32, i32, i32
  }
  func.func @transform_1(%arg0: i32) -> (i32, i32) {
    %c0_i32 = arith.constant 0 : i32
    %c0_i32_0 = arith.constant 0 : i32
    %c0_i32_1 = arith.constant 0 : i32
    return %c0_i32, %c0_i32_0 : i32, i32
  }
  func.func @transform_2(%arg0: i32) -> (i32, i32) {
    %c0_i32 = arith.constant 0 : i32
    %c0_i32_0 = arith.constant 0 : i32
    %c0_i32_1 = arith.constant 0 : i32
    return %c0_i32, %c0_i32_0 : i32, i32
  }
  func.func @transform_3(%arg0: i32) -> (i32, i32) {
    %c0_i32 = arith.constant 0 : i32
    %c0_i32_0 = arith.constant 0 : i32
    %c0_i32_1 = arith.constant 0 : i32
    return %c0_i32, %c0_i32_0 : i32, i32
  }
  func.func @transform_4(%arg0: i32) -> (i32, i32) {
    %c0_i32 = arith.constant 0 : i32
    %c0_i32_0 = arith.constant 0 : i32
    return %arg0, %c0_i32 : i32, i32
  }
  func.func @transform_5(%arg0: i32) -> (i32, i32) {
    %c0_i32 = arith.constant 0 : i32
    %c0_i32_0 = arith.constant 0 : i32
    return %arg0, %c0_i32 : i32, i32
  }
}

</mosaic_0001>

<sc_bundles>
// kernel: kernel.11.cloned.1.call-start
scs
__scs_entry_jumppad:
0x0: {  	(pc) =	sbr.rel $0x88, $3  }
0x1: {  	(tag) =	ssettag $0x0;
	lr =	simm.s32 $0x1  }
0x2: {  	[smem:$0x3F96] =	sst lr;
	_ =	strace $0xD0000000  }
0x3: {  	_ = 	snop  }
0x4: {  	_ = 	snop  }
0x5: {  	_ = 	snop  }
0x6: {  	_ = 	snop  }
0x7: {  	_ = 	snop  }
__scs_overlays_trampoline_lowered:
0x8: {  	[smem:$0x3FA5] =	sst s0  }
0x9: {  	[smem:$0x3FA6] =	sst s1  }
0xa: {  	[smem:$0x3FA7] =	sst s2  }
0xb: {  	[smem:$0x3FA8] =	sst s3  }
0xc: {  	[smem:$0x3FA9] =	sst s4  }
0xd: {  	[smem:$0x3FAA] =	sst s5  }
0xe: {  	[smem:$0x3FAB] =	sst s6  }
0xf: {  	[smem:$0x3FAC] =	sst s7  }
0x10: {  	[smem:$0x3FAD] =	sst s8  }
0x11: {  	[smem:$0x3FAE] =	sst s9;
	s0 =	simm.s32 @!p0 $0x0  }
0x12: {  	s1 =	sld [smem:$0x3F94];
	s0 =	simm.s32 @p0 $0x1  }
0x13: {  	[smem:$0x3FAF] =	sst s0;
	s0 =	simm.s32 @!p1 $0x0  }
0x14: {  	s2 =	sld [smem:$0x3F93];
	s0 =	simm.s32 @p1 $0x1  }
0x15: {  	[smem:$0x3FB0] =	sst s0;
	s0 =	simm.s32 @!p2 $0x0  }
0x16: {  	s3 =	sld [smem:$0x3FDB];
	s0 =	simm.s32 @p2 $0x1  }
0x17: {  	s4 =	simm.s32 $0x1BF5;
	[smem:$0x3FB2] =	sst s0  }
0x18: {  	s0 =	sld [smem:$0x3F95];
	_ =	swait.ge [sflag:s4], $0x0  }
0x19: {  	s7 =	sld [smem:$0x3F96]  }
0x1a: {  	s8 =	sadd.s32 $0xFFFFE003, lr  }
0x1b: {  	s9 =	sadd.s32 $0xFFFFFEF7, lr;
	s5 =	simm.s32 $0xFFFFFFFF;
	p2 =	slt.u32 s8, $0xFFFFF086  }
0x1c: {  	p1 =	slt.u32 s9, $0xF7A;
	s5 =	simm.s32 @!p2 $0x0  }
0x1d: {  	s5 =	simm.s32 @p1 $0x1;
	p0 =	seq.s32 s7, s2  }
0x1e: {  	s7 =	smul.u32 @!p0 $0xF7A, s2;
	p2 =	seq.s32 @!p0 s5, $0x0  }
0x1f: {  	s9 =	smul.u32 $0xF7A, s1;
	s8 =	simm.s32 @!p0 $0x1BF5;
	p2 =	por !p2, p0  }
0x20: {  	[sflag:s8] =	ssyncset.s32 @!p0 $0xFFFFF086;
	s6 =	sadd.s32 @!p0 s3, s7;
	s7 =	simm.s32 @!p0 $0x108  }
0x21: {  	s3 =	sadd.s32 s3, s9;
	s6 =	sadd.s32 @!p0 $0x88, s6;
	s7 =	simm.s32 @p2 $0x1082  }
0x22: {  	[simem:s7], [sflag:s8] =	dma.local @!p0 [hbm:s6], $0xF7A  }
0x23: {  	s9 =	sor.u32 $0xD0000000, s2;
	s6 =	simm.s32 $0x108;
	_ =	swait.ge @!p0 [sflag:s8], $0x0  }
0x24: {  	s3 =	sadd.s32 $0x88, s3;
	s6 =	simm.s32 @!p1 $0x1082;
	[sflag:s4] =	ssyncset.s32 $0xFFFFF086  }
0x25: {  	[simem:s6], [sflag:s4] =	dma.local [hbm:s3], $0xF7A  }
0x26: {  	[smem:$0x3F96] =	sst s1;
	(tag) =	ssettag s2;
	_ =	strace s9  }
0x27: {  	s1 =	sld [smem:$0x3FA6]  }
0x28: {  	s2 =	sld [smem:$0x3FA7]  }
0x29: {  	s4 =	sld [smem:$0x3FA9]  }
0x2a: {  	p0 =	seq.s32 s5, $0x0;
	s5 =	sld [smem:$0x3FAA]  }
0x2b: {  	s6 =	sld [smem:$0x3FAB]  }
0x2c: {  	s7 =	sld [smem:$0x3FAC]  }
0x2d: {  	s3 =	simm.s32 $0x108;
	s8 =	sld [smem:$0x3FAD]  }
0x2e: {  	s3 =	simm.s32 @!p0 $0x1082;
	s9 =	sld [smem:$0x3FAE]  }
0x2f: {  	lr =	sadd.s32 s0, s3;
	s0 =	sld [smem:$0x3FA5]  }
0x30: {  	s3 =	sld [smem:$0x3FA8]  }
0x31: {  	[smem:$0x3FB1] =	sst s10  }
0x32: {  	s10 =	sld [smem:$0x3FAF];
	_ =	sdelay $0x3  }
0x33: {  	p0 =	seq.s32 s10, $0x1;
	s10 =	sld [smem:$0x3FB1];
	_ =	sdelay $0x3  }
0x34: {  	[smem:$0x3FB1] =	sst s10  }
0x35: {  	s10 =	sld [smem:$0x3FB0];
	_ =	sdelay $0x3  }
0x36: {  	p1 =	seq.s32 s10, $0x1;
	s10 =	sld [smem:$0x3FB1];
	_ =	sdelay $0x3  }
0x37: {  	[smem:$0x3FB1] =	sst s10  }
0x38: {  	s10 =	sld [smem:$0x3FB2]  }
0x39: {  	_ = 	snop;
	(pc) =	sbr.ind lr, $3  }
0x3a: {  	_ = 	snop  }
0x3b: {  	_ = 	snop  }
0x3c: {  	p2 =	seq.s32 s10, $0x1;
	s10 =	sld [smem:$0x3FB1]  }
0x3d: {  	_ =	shalt  }
0x3e: {  	_ =	shalt  }
0x3f: {  	_ =	shalt  }
0x40: {  	_ =	shalt  }
0x41: {  	_ =	shalt  }
0x42: {  	_ =	shalt  }
0x43: {  	_ =	shalt  }
0x44: {  	_ =	shalt  }
0x45: {  	_ =	shalt  }
0x46: {  	_ =	shalt  }
0x47: {  	_ =	shalt  }
0x48: {  	_ =	shalt  }
0x49: {  	_ =	shalt  }
0x4a: {  	_ =	shalt  }
0x4b: {  	_ =	shalt  }
0x4c: {  	_ =	shalt  }
0x4d: {  	_ =	shalt  }
0x4e: {  	_ =	shalt  }
0x4f: {  	_ =	shalt  }
0x50: {  	_ =	shalt  }
0x51: {  	_ =	shalt  }
0x52: {  	_ =	shalt  }
0x53: {  	_ =	shalt  }
0x54: {  	_ =	shalt  }
0x55: {  	_ =	shalt  }
0x56: {  	_ =	shalt  }
0x57: {  	_ =	shalt  }
0x58: {  	_ =	shalt  }
0x59: {  	_ =	shalt  }
0x5a: {  	_ =	shalt  }
0x5b: {  	_ =	shalt  }
0x5c: {  	_ =	shalt  }
0x5d: {  	_ =	shalt  }
0x5e: {  	_ =	shalt  }
0x5f: {  	_ =	shalt  }
0x60: {  	_ =	shalt  }
0x61: {  	_ =	shalt  }
0x62: {  	_ =	shalt  }
0x63: {  	_ =	shalt  }
0x64: {  	_ =	shalt  }
0x65: {  	_ =	shalt  }
0x66: {  	_ =	shalt  }
0x67: {  	_ =	shalt  }
0x68: {  	_ =	shalt  }
0x69: {  	_ =	shalt  }
0x6a: {  	_ =	shalt  }
0x6b: {  	_ =	shalt  }
0x6c: {  	_ =	shalt  }
0x6d: {  	_ =	shalt  }
0x6e: {  	_ =	shalt  }
0x6f: {  	_ =	shalt  }
0x70: {  	_ =	shalt  }
0x71: {  	_ =	shalt  }
0x72: {  	_ =	shalt  }
0x73: {  	_ =	shalt  }
0x74: {  	_ =	shalt  }
0x75: {  	_ =	shalt  }
0x76: {  	_ =	shalt  }
0x77: {  	_ =	shalt  }
0x78: {  	_ =	shalt  }
0x79: {  	_ =	shalt  }
0x7a: {  	_ =	shalt  }
0x7b: {  	_ =	shalt  }
0x7c: {  	_ =	shalt  }
0x7d: {  	_ =	shalt  }
0x7e: {  	_ =	shalt  }
0x7f: {  	_ =	shalt  }
0x80: {  	_ =	shalt  }
0x81: {  	_ =	shalt  }
0x82: {  	_ =	shalt  }
0x83: {  	_ =	shalt  }
0x84: {  	_ =	shalt  }
0x85: {  	_ =	shalt  }
0x86: {  	_ =	shalt  }
0x87: {  	_ =	shalt  }
.Lfunc_end0:
.L_simem_size_0:
called_computation.1_lowered:
.L_overlay_start_0:
0x88: {  	s2 =	sld [smem:$0x3FD9]  }
0x89: {  	s3 =	sld [smem:$0x3FFE];
	_ =	sdelay $0x1  }
0x8a: {  	s1 =	srdreg.scid  }
0x8b: {  	s0 =	sand.u32 $0x1, s1  }
0x8c: {  	s17 =	sshll.u32 s0, $0xA;
	s2 =	sadd.s32 s3, s2  }
0x8d: {  	s2 =	sadd.s32 s2, s17  }
0x8e: {  	[smem:$0x3FBD] =	sst s2  }
0x8f: {  	_ = 	snop  }
0x90: {  	s2 =	sld [smem:$0x3FC7];
	(tm) =	ssettm $0x1  }
0x91: {  	s18 =	sld [smem:$0x3FFB];
	_ =	sdelay $0x3  }
0x92: {  	_ =	strace s18  }
0x93: {  	s3 =	sld [smem:$0x3FFC];
	_ =	sdelay $0x3  }
0x94: {  	_ =	strace s3  }
0x95: {  	s3 =	sld [smem:$0x3FFD];
	_ =	sdelay $0x3  }
0x96: {  	_ =	strace s3  }
0x97: {  	_ =	strace $0x8FFFFFFF  }
0x98: {  	s19 =	sld [smem:$0x3FDB];
	_ =	sdelay $0x1  }
0x99: {  	s4 =	simm.s32 $_scs_section_size  }
0x9a: {  	s5 =	simm.s32 $_size__tile_overlayer_lowered;
	s6 =	simm.s32 $_tile_overlayer_lowered  }
0x9b: {  	s22 =	simm.s32 $0x1BFF;
	s21 =	sshll.u32 s6, $0x1;
	s3 =	sadd.s32 s4, s19  }
0x9c: {  	s7 =	simm.s32 $0x0;
	s20 =	sshll.u32 s5, $0x1;
	s5 =	sadd.s32 s21, s3  }
0x9d: {  	[timem:s7], [sflag:s22] =	dma.local [hbm:s5], s20  }
0x9e: {  	_ =	swait.ge [sflag:s22], s20  }
0x9f: {  	s4 =	ssub.s32 $0x0, s20;
	[sflag:s22] =	ssyncset.done $0x0  }
0xa0: {  	[sflag:s22] =	ssyncadd.s32 s4;
	_ =	sdelay $0x1  }
0xa1: {  	s23 =	simm.s32 $0x1B8B  }
0xa2: {  	_ =	swait.ge [sflag:s23], $0x1  }
0xa3: {  	[sflag:s23] =	ssyncset.done $0x0  }
0xa4: {  	s25 =	simm.s32 $0x1B8E;
	s24 =	sld [smem:$0x3FFE];
	[sflag:s23] =	ssyncadd.s32 $0xFFFFFFFF  }
0xa5: {  	s26 =	simm.s32 $execute0_lowered;
	[smem:$0x3FD2] =	sst s25  }
0xa6: {  	s5 =	sshll.u32 s26, $0x1;
	_ =	strace $0x80000049;
	[dreg:$0x1] =	wrdreg $0xFFFFFFFF  }
0xa7: {  	s28 =	simm.s32 $_size_execute0_lowered;
	s3 =	sadd.s32 s3, s5;
	[dreg:$0x0] =	wrdreg $0x0  }
0xa8: {  	s5 =	sshll.u32 s28, $0x1;
	[dreg:$0x2] =	wrdreg s3  }
0xa9: {  	[dreg:$0x3] =	wrdreg s5  }
0xaa: {  	[dreg:$0x4] =	wrdreg $0xC0  }
0xab: {  	_ =	task [dreg:s7], $0x5FFFF  }
0xac: {  	[dreg:$0x1] =	wrdreg $0xFFFFFFFF  }
0xad: {  	[dreg:$0x0] =	wrdreg $0x60  }
0xae: {  	[dreg:$0x2] =	wrdreg s24  }
0xaf: {  	[dreg:$0x3] =	wrdreg s2  }
0xb0: {  	[dreg:$0x4] =	wrdreg $0x9  }
0xb1: {  	_ =	task.clear_ibuf [dreg:s7], $0x5FFFF;
	_ =	strace $0x90000049  }
0xb2: {  	s29 =	simm.s32 $0x9;
	_ =	strace $0x8000004B  }
0xb3: {  	_ =	swait.ge [sflag:s29], $0x1  }
0xb4: {  	[sflag:s29] =	ssyncadd.s32 $0xFFFFFFFF  }
0xb5: {  	_ =	strace $0x9000004B  }
0xb6: {  	_ =	sfence  }
0xb7: {  	s30 =	sld [smem:$0x0];
	_ =	sdelay $0x2  }
0xb8: {  	s31 =	sshll.u32 s1, $0xD;
	s1 =	sshrl.u32 s1, $0x2  }
0xb9: {  	s3 =	sand.u32 $0x4000, s31;
	s1 =	sadd.s32 s1, s30  }
0xba: {  	s0 =	sor.u32 s3, s0;
	s1 =	sshll.u32 s1, $0x11  }
0xbb: {  	s0 =	sor.u32 s1, s0  }
0xbc: {  	s0 =	sadd.s32 $0x8F2B, s0  }
0xbd: {  	[sflag:s0] =	ssyncadd.remote.s32 $0x1  }
0xbe: {  	_ =	sfence.sel $0xFFFF  }
0xbf: {  	[dreg:$0x0] =	wrdreg $0xFFFFFFFF;
	(pc) =	sbr.abs _section_cstart, $3  }
0xc0: {  	[dreg:$0x1] =	wrdreg $0xFFFFFFFF  }
0xc1: {  	_ =	task.clear_ibuf [dreg:s7], $0x2FFFF;
	_ =	strace $0x9FFFFFFF  }
0xc2: {  	(tm) =	ssettm $0x7FFFFFFF  }
0xc3: {  	_ =	shalt  }
tec
execute0_lowered:
.L_overlay_start_1:
0x0: {  	(tag) =	ssettag $0x1  }
0x1: {  	s6 =	rddreg [dreg:$0x0]  }
0x2: {  	s1 =	rddreg [dreg:$0x1]  }
0x3: {  	s0 =	stileid.u32;
	s3 =	srdreg.scid;
	s12 =	simm.s32 $0x2780  }
0x4: {  	s13 =	simm.s32 $0x4F00;
	s14 =	simm.s32 $0x11300;
	s2 =	sand.u32 $0x7, s0  }
0x5: {  	s4 =	sshrl.u32 s0, $0x2;
	s7 =	sand.u32 $0x1, s3;
	s3 =	simm.s32 $0x0  }
0x6: {  	s5 =	smul.u32 $0x9C40, s2;
	s4 =	sand.u32 $0x2, s4;
	s2 =	rddreg [dreg:$0x2]  }
0x7: {  	s15 =	simm.s32 $0x0;
	[smem:$0x7FF] =	sst s3;
	s8 =	sor.u32 s7, s4  }
0x8: {  	_ =	strace $0x8000004A;
	s7 =	ssub.s32 $0x2, s7;
	s9 =	smul.u32 $0x4E200, s8  }
0x9: {  	s4 =	sadd.s32 $0x1E000, s6;
	s31 =	sshrl.u32 s5, $0x3;
	s11 =	sshrl.u32 s7, $0x1  }
0xa: {  	s10 =	sadd.s32 s31, s6;
	s11 =	ssub.s32 s7, s11;
	s9 =	sadd.s32 s5, s9  }
0xb: {  	s7 =	smul.u32 $0x13880, s8;
	s5 =	sadd.s32 $0x14200, s6;
	s9 =	sshrl.u32 s9, $0x3  }
0xc: {  	s9 =	sadd.s32 s9, s6;
	s6 =	sadd.s32 $0x800, s10;
	s10 =	simm.s32 $0x7680  }
0xd: {  	v0 =	vimm.f32 $0.0e+00;
	s8 =	sadd.s32 $0x27E00, s9;
	s9 =	smax.u32 s11, $0x1;
	s11 =	simm.s32 $0x1  }
.LBB2_1:
0xe: {  	[tilespmem:s10], [sflag:$0x1] =	stream.linear.gather [hbm4b:s6+s3], $0x9C40, $0x38;
	[tilespmem:$0x1AF80] =	vst v63  }
0xf: {  	_ =	swait.ge [sflag:s11], $0x9C40  }
0x10: {  	[sflag:s11] =	ssyncset.done $0x0  }
0x11: {  	s16 =	simm.s32 $0x0;
	[sflag:s11] =	ssyncadd.s32 $0xFFFF63C0  }
.LBB2_2:
0x12: {  	p0 =	sne.s32 s16, $0x270C0  }
.Ltmp0:
0x13: {  	_ = 	snop;
	(pc) =	sbr.rel @p0 .LBB2_2-.Ltmp0, $3  }
0x14: {  	_ =	sdelay $0x1  }
0x15: {  	s17 =	sshra.s32 s16, $0x2  }
0x16: {  	s16 =	sadd.s32 $0x40, s16;
	[tilespmem:s17+$0x11300] =	vst v0  }
0x17: {  	s16 =	simm.s32 $0x0  }
.LBB2_4:
0x18: {  	s17 =	smul.u32 $0x2710, s16;
	_ =	sdelay $0x1  }
0x19: {  	s17 =	sadd.s32 s7, s17  }
0x1a: {  	s17 =	sshrl.u32 s17, $0x3  }
0x1b: {  	s18 =	sadd.s32 s4, s17  }
0x1c: {  	[tilespmem:s3], [sflag:$0x1] =	stream.linear.gather [hbm4b:s18+s3], $0x2710, $0x38;
	[tilespmem:$0x1AF80] =	vst v63  }
0x1d: {  	_ =	swait.ge [sflag:s11], $0x2710  }
0x1e: {  	[sflag:s11] =	ssyncset.done $0x0  }
0x1f: {  	s30 =	sadd.s32 s5, s17;
	[sflag:s11] =	ssyncadd.s32 $0xFFFFD8F0  }
0x20: {  	[tilespmem:s12], [sflag:$0x1] =	stream.linear.gather [hbm4b:s30+s3], $0x2710, $0x38;
	[tilespmem:$0x1AF80] =	vst v63  }
0x21: {  	_ =	swait.ge [sflag:s11], $0x2710  }
0x22: {  	[sflag:s11] =	ssyncset.done $0x0  }
0x23: {  	s17 =	sadd.s32 s1, s17;
	[sflag:s11] =	ssyncadd.s32 $0xFFFFD8F0  }
0x24: {  	[tilespmem:s13], [sflag:$0x1] =	stream.linear.gather [hbm4b:s17+s3], $0x2710, $0x38;
	[tilespmem:$0x1AF80] =	vst v63  }
0x25: {  	_ =	swait.ge [sflag:s11], $0x2710  }
0x26: {  	[sflag:s11] =	ssyncset.done $0x0  }
0x27: {  	s31 =	simm.s32 $0x20;
	[sflag:s11] =	ssyncadd.s32 $0xFFFFD8F0  }
0x28: {  	v4 =	vld [tilespmem:s31+$0x10];
	_ =	sdelay $0x3  }
0x29: {  	v5 =	vld [tilespmem:s31+$0xFFFFFFF0]  }
0x2a: {  	s17 =	simm.s32 $0x27A0;
	v6 =	vld [tilespmem:s31+$0xFFFFFFE0]  }
0x2b: {  	s18 =	simm.s32 $0x4F20;
	v8 =	vld [tilespmem:s17+$0x10]  }
0x2c: {  	v9 =	vld [tilespmem:s18+$0x10]  }
0x2d: {  	v2 =	vld.idx.msk [tilespmem:v4+s10+$0x0], $0xffff  }
0x2e: {  	v7 =	vld [tilespmem:s31+$0x0]  }
0x2f: {  	v1 =	vld [tilespmem:s18+$0xFFFFFFE0]  }
0x30: {  	v15 =	vld [tilespmem:s17+$0xFFFFFFE0];
	v3 =	vadd.s32 $0x2710, v4  }
0x31: {  	v16 =	vld [tilespmem:s17+$0xFFFFFFF0]  }
0x32: {  	v17 =	vld [tilespmem:s17+$0x0];
	v13 =	vmul.f32 v2, v9  }
0x33: {  	v11 =	vld.idx.msk [tilespmem:v6+s10+$0x0], $0xffff  }
0x34: {  	[tilespmem:v8+s14+$0x0] =	vst.idx.add.f32.msk $0xffff, v13  }
0x35: {  	v13 =	vld.idx.msk [tilespmem:v3+s10+$0x0], $0xffff  }
0x36: {  	v10 =	vld.idx.msk [tilespmem:v5+s10+$0x0], $0xffff  }
0x37: {  	v14 =	vadd.s32 $0x2710, v8;
	v12 =	vld.idx.msk [tilespmem:v7+s10+$0x0], $0xffff  }
0x38: {  	v18 =	vadd.s32 $0x4E20, v4;
	v2 =	vld [tilespmem:s18+$0xFFFFFFF0]  }
0x39: {  	v19 =	vadd.s32 $0x2710, v6;
	v11 =	vmul.f32 v11, v1;
	v3 =	vld [tilespmem:s18+$0x0]  }
0x3a: {  	v13 =	vmul.f32 v13, v9  }
0x3b: {  	[tilespmem:v15+s14+$0x0] =	vst.idx.add.f32.msk $0xffff, v11  }
0x3c: {  	[tilespmem:v14+s14+$0x0] =	vst.idx.add.f32.msk $0xffff, v13;
	v13 =	vadd.s32 $0x2710, v5  }
0x3d: {  	v60 =	vadd.s32 $0x2710, v7;
	v10 =	vmul.f32 v10, v2;
	v14 =	vld.idx.msk [tilespmem:v18+s10+$0x0], $0xffff  }
0x3e: {  	v11 =	vld.idx.msk [tilespmem:v19+s10+$0x0], $0xffff;
	v12 =	vmul.f32 v12, v3  }
0x3f: {  	[tilespmem:v16+s14+$0x0] =	vst.idx.add.f32.msk $0xffff, v10;
	v10 =	vadd.s32 $0x4E20, v8  }
0x40: {  	v4 =	vadd.s32 $0x7530, v4;
	[tilespmem:v17+s14+$0x0] =	vst.idx.add.f32.msk $0xffff, v12  }
0x41: {  	v12 =	vld.idx.msk [tilespmem:v13+s10+$0x0], $0xffff  }
0x42: {  	v18 =	vld.idx.msk [tilespmem:v60+s10+$0x0], $0xffff;
	v13 =	vadd.s32 $0x2710, v15;
	v14 =	vmul.f32 v14, v9  }
0x43: {  	v61 =	vadd.s32 $0x2710, v16  }
0x44: {  	v20 =	vadd.s32 $0x2710, v17;
	[tilespmem:v10+s14+$0x0] =	vst.idx.add.f32.msk $0xffff, v14  }
0x45: {  	v14 =	vadd.s32 $0x4E20, v6;
	v21 =	vld.idx.msk [tilespmem:v4+s10+$0x0], $0xffff;
	v4 =	vmul.f32 v11, v1  }
0x46: {  	v11 =	vadd.s32 $0x4E20, v5;
	v10 =	vmul.f32 v12, v2  }
0x47: {  	v62 =	vadd.s32 $0x7530, v8;
	v12 =	vmul.f32 v18, v3;
	[tilespmem:v13+s14+$0x0] =	vst.idx.add.f32.msk $0xffff, v4  }
0x48: {  	[tilespmem:v61+s14+$0x0] =	vst.idx.add.f32.msk $0xffff, v10  }
0x49: {  	v8 =	vadd.s32 $0x7530, v16;
	v4 =	vadd.s32 $0x7530, v5;
	[tilespmem:v20+s14+$0x0] =	vst.idx.add.f32.msk $0xffff, v12  }
0x4a: {  	v5 =	vadd.s32 $0x7530, v7;
	v10 =	vadd.s32 $0x4E20, v7;
	v14 =	vld.idx.msk [tilespmem:v14+s10+$0x0], $0xffff;
	v63 =	vmul.f32 v21, v9  }
0x4b: {  	v7 =	vadd.s32 $0x7530, v6;
	v12 =	vadd.s32 $0x4E20, v15;
	v6 =	vadd.s32 $0x7530, v15;
	v15 =	vld.idx.msk [tilespmem:v11+s10+$0x0], $0xffff  }
0x4c: {  	s19 =	simm.s32 $0x0;
	s20 =	simm.s32 $0x60;
	v13 =	vadd.s32 $0x4E20, v16;
	v11 =	vadd.s32 $0x4E20, v17;
	v9 =	vadd.s32 $0x7530, v17;
	[tilespmem:v62+s14+$0x0] =	vst.idx.add.f32.msk $0xffff, v63  }
.LBB2_5:
0x4d: {  	v16 =	vld [tilespmem:s20+$0x10];
	s19 =	sadd.s32 $0x40, s19  }
0x4e: {  	v17 =	vld [tilespmem:s20+$0xFFFFFFF0];
	p0 =	slt.u32 s19, $0x26C0  }
0x4f: {  	v18 =	vld [tilespmem:s20+$0x0]  }
0x50: {  	v14 =	vmul.f32 v14, v1;
	v19 =	vld [tilespmem:s20+$0xFFFFFFE0]  }
0x51: {  	v15 =	vmul.f32 v15, v2;
	v20 =	vld.idx.msk [tilespmem:v10+s10+$0x0], $0xffff  }
0x52: {  	[tilespmem:v12+s14+$0x0] =	vst.idx.add.f32.msk $0xffff, v14  }
0x53: {  	s17 =	sadd.s32 $0x40, s17;
	v14 =	vadd.s32 $0x2710, v17;
	v21 =	vadd.s32 $0x4E20, v17;
	v22 =	vadd.s32 $0x7530, v17;
	[tilespmem:v13+s14+$0x0] =	vst.idx.add.f32.msk $0xffff, v15  }
0x54: {  	v15 =	vadd.s32 $0x2710, v18;
	v10 =	vadd.s32 $0x4E20, v18;
	v23 =	vadd.s32 $0x7530, v18;
	v24 =	vld [tilespmem:s17+$0x10]  }
0x55: {  	s18 =	sadd.s32 $0x40, s18;
	v25 =	vadd.s32 $0x2710, v19;
	v26 =	vadd.s32 $0x4E20, v19;
	v12 =	vadd.s32 $0x7530, v19;
	v13 =	vld.idx.msk [tilespmem:v16+s10+$0x0], $0xffff  }
0x56: {  	v27 =	vld [tilespmem:s18+$0x10]  }
0x57: {  	v20 =	vmul.f32 v20, v3;
	v17 =	vld.idx.msk [tilespmem:v17+s10+$0x0], $0xffff  }
0x58: {  	v19 =	vld.idx.msk [tilespmem:v19+s10+$0x0], $0xffff  }
0x59: {  	v28 =	vadd.s32 $0x2710, v16;
	v18 =	vld.idx.msk [tilespmem:v18+s10+$0x0], $0xffff  }
0x5a: {  	v29 =	vld [tilespmem:s18+$0xFFFFFFE0]  }
0x5b: {  	v30 =	vld [tilespmem:s18+$0xFFFFFFF0];
	v13 =	vmul.f32 v13, v27  }
0x5c: {  	v31 =	vld [tilespmem:s18+$0x0]  }
0x5d: {  	[tilespmem:v24+s14+$0x0] =	vst.idx.add.f32.msk $0xffff, v13  }
0x5e: {  	v13 =	vld.idx.msk [tilespmem:v28+s10+$0x0], $0xffff  }
0x5f: {  	v28 =	vld [tilespmem:s17+$0xFFFFFFE0];
	v19 =	vmul.f32 v19, v29  }
0x60: {  	v32 =	vld [tilespmem:s17+$0xFFFFFFF0];
	v17 =	vmul.f32 v17, v30  }
0x61: {  	v34 =	vadd.s32 $0x2710, v24;
	v33 =	vld [tilespmem:s17+$0x0];
	v18 =	vmul.f32 v18, v31  }
0x62: {  	v35 =	vadd.s32 $0x4E20, v16;
	[tilespmem:v11+s14+$0x0] =	vst.idx.add.f32.msk $0xffff, v20  }
0x63: {  	v20 =	vld.idx.msk [tilespmem:v7+s10+$0x0], $0xffff;
	v7 =	vmov v12  }
0x64: {  	v37 =	vmul.f32 v13, v27;
	v36 =	vadd.s32 $0x2710, v28;
	v12 =	vadd.s32 $0x4E20, v28;
	v38 =	vld.idx.msk [tilespmem:v4+s10+$0x0], $0xffff;
	v4 =	vmovc v22  }
0x65: {  	v22 =	vadd.s32 $0x7530, v28;
	v39 =	vadd.s32 $0x2710, v32;
	v13 =	vadd.s32 $0x4E20, v32;
	v40 =	vld.idx.msk [tilespmem:v5+s10+$0x0], $0xffff;
	v5 =	vmovc v23  }
0x66: {  	v23 =	vadd.s32 $0x7530, v32;
	v41 =	vadd.s32 $0x2710, v33;
	v11 =	vadd.s32 $0x4E20, v33;
	[tilespmem:v34+s14+$0x0] =	vst.idx.add.f32.msk $0xffff, v37  }
0x67: {  	v34 =	vadd.s32 $0x7530, v33;
	v35 =	vld.idx.msk [tilespmem:v35+s10+$0x0], $0xffff  }
0x68: {  	[tilespmem:v28+s14+$0x0] =	vst.idx.add.f32.msk $0xffff, v19  }
0x69: {  	[tilespmem:v32+s14+$0x0] =	vst.idx.add.f32.msk $0xffff, v17;
	v17 =	vmul.f32 v20, v1;
	v1 =	vmov v29  }
0x6a: {  	v19 =	vmul.f32 v38, v2;
	v2 =	vmov v30;
	[tilespmem:v33+s14+$0x0] =	vst.idx.add.f32.msk $0xffff, v18;
	v18 =	vadd.s32 $0x4E20, v24  }
0x6b: {  	v16 =	vadd.s32 $0x7530, v16;
	v20 =	vld.idx.msk [tilespmem:v25+s10+$0x0], $0xffff;
	v25 =	vmul.f32 v40, v3;
	v3 =	vmov v31  }
0x6c: {  	v14 =	vld.idx.msk [tilespmem:v14+s10+$0x0], $0xffff  }
0x6d: {  	v28 =	vmul.f32 v35, v27;
	v15 =	vld.idx.msk [tilespmem:v15+s10+$0x0], $0xffff  }
0x6e: {  	[tilespmem:v6+s14+$0x0] =	vst.idx.add.f32.msk $0xffff, v17;
	v6 =	vmov v22  }
0x6f: {  	[tilespmem:v18+s14+$0x0] =	vst.idx.add.f32.msk $0xffff, v28  }
0x70: {  	v16 =	vld.idx.msk [tilespmem:v16+s10+$0x0], $0xffff  }
0x71: {  	v17 =	vmul.f32 v20, v1;
	[tilespmem:v8+s14+$0x0] =	vst.idx.add.f32.msk $0xffff, v19;
	v8 =	vmov v23  }
0x72: {  	v14 =	vmul.f32 v14, v2;
	[tilespmem:v9+s14+$0x0] =	vst.idx.add.f32.msk $0xffff, v25;
	v9 =	vmov v34  }
0x73: {  	v15 =	vmul.f32 v15, v3;
	[tilespmem:v36+s14+$0x0] =	vst.idx.add.f32.msk $0xffff, v17;
	v17 =	vadd.s32 $0x7530, v24  }
.Ltmp1:
0x74: {  	[tilespmem:v39+s14+$0x0] =	vst.idx.add.f32.msk $0xffff, v14;
	(pc) =	sbr.rel @p0 .LBB2_5-.Ltmp1, $4  }
0x75: {  	[tilespmem:v41+s14+$0x0] =	vst.idx.add.f32.msk $0xffff, v15  }
0x76: {  	v16 =	vmul.f32 v16, v27;
	v14 =	vld.idx.msk [tilespmem:v26+s10+$0x0], $0xffff  }
0x77: {  	v15 =	vld.idx.msk [tilespmem:v21+s10+$0x0], $0xffff  }
0x78: {  	s20 =	sadd.s32 $0x40, s20;
	[tilespmem:v17+s14+$0x0] =	vst.idx.add.f32.msk $0xffff, v16  }
0x79: {  	_ =	sdelay $0x3  }
0x7a: {  	v10 =	vld.idx.msk [tilespmem:v10+s10+$0x0], $0xffff  }
0x7b: {  	v14 =	vmul.f32 v14, v1  }
0x7c: {  	v15 =	vmul.f32 v15, v2  }
0x7d: {  	[tilespmem:v12+s14+$0x0] =	vst.idx.add.f32.msk $0xffff, v14  }
0x7e: {  	[tilespmem:v13+s14+$0x0] =	vst.idx.add.f32.msk $0xffff, v15  }
0x7f: {  	v10 =	vmul.f32 v10, v3;
	v7 =	vld.idx.msk [tilespmem:v7+s10+$0x0], $0xffff  }
0x80: {  	v4 =	vld.idx.msk [tilespmem:v4+s10+$0x0], $0xffff  }
0x81: {  	[tilespmem:v11+s14+$0x0] =	vst.idx.add.f32.msk $0xffff, v10  }
0x82: {  	v5 =	vld.idx.msk [tilespmem:v5+s10+$0x0], $0xffff;
	_ =	sdelay $0x2  }
0x83: {  	v1 =	vmul.f32 v7, v1  }
0x84: {  	v2 =	vmul.f32 v4, v2  }
0x85: {  	[tilespmem:v6+s14+$0x0] =	vst.idx.add.f32.msk $0xffff, v1;
	v3 =	vmul.f32 v5, v3  }
0x86: {  	[tilespmem:v8+s14+$0x0] =	vst.idx.add.f32.msk $0xffff, v2  }
0x87: {  	[tilespmem:v9+s14+$0x0] =	vst.idx.add.f32.msk $0xffff, v3  }
0x88: {  	v1 =	vld [tilespmem:$0x2700];
	_ =	sdelay $0x5  }
0x89: {  	v2 =	vld [tilespmem:$0x4E80]  }
0x8a: {  	v3 =	vld [tilespmem:$0x7600]  }
0x8b: {  	v59 =	vld.idx.msk [tilespmem:v1+s10+$0x0], $0xffff;
	_ =	sdelay $0x2  }
0x8c: {  	v60 =	vadd.s32 $0x2710, v1;
	_ =	sdelay $0x1  }
0x8d: {  	v4 =	vmul.f32 v59, v3;
	_ =	sdelay $0x1  }
0x8e: {  	[tilespmem:v2+s14+$0x0] =	vst.idx.add.f32.msk $0xffff, v4  }
0x8f: {  	v4 =	vld.idx.msk [tilespmem:v60+s10+$0x0], $0xffff;
	_ =	sdelay $0x1  }
0x90: {  	v61 =	vadd.s32 $0x2710, v2  }
0x91: {  	v62 =	vadd.s32 $0x4E20, v1;
	_ =	sdelay $0x1  }
0x92: {  	v4 =	vmul.f32 v4, v3;
	_ =	sdelay $0x1  }
0x93: {  	[tilespmem:v61+s14+$0x0] =	vst.idx.add.f32.msk $0xffff, v4  }
0x94: {  	v4 =	vld.idx.msk [tilespmem:v62+s10+$0x0], $0xffff;
	_ =	sdelay $0x1  }
0x95: {  	v63 =	vadd.s32 $0x4E20, v2  }
0x96: {  	v1 =	vadd.s32 $0x7530, v1;
	_ =	sdelay $0x1  }
0x97: {  	v4 =	vmul.f32 v4, v3;
	_ =	sdelay $0x1  }
0x98: {  	[tilespmem:v63+s14+$0x0] =	vst.idx.add.f32.msk $0xffff, v4  }
0x99: {  	v1 =	vld.idx.msk [tilespmem:v1+s10+$0x0], $0xffff  }
0x9a: {  	s16 =	sadd.s32 $0x1, s16  }
0x9b: {  	p0 =	sne.s32 s16, $0x8;
	v2 =	vadd.s32 $0x7530, v2  }
.Ltmp2:
0x9c: {  	_ = 	snop;
	(pc) =	sbr.rel @p0 .LBB2_4-.Ltmp2, $3  }
0x9d: {  	_ = 	snop  }
0x9e: {  	v1 =	vmul.f32 v1, v3;
	_ =	sdelay $0x1  }
0x9f: {  	[tilespmem:v2+s14+$0x0] =	vst.idx.add.f32.msk $0xffff, v1  }
0xa0: {  	s15 =	sadd.s32 $0x1, s15  }
0xa1: {  	p0 =	sne.s32 s15, s9  }
.Ltmp3:
0xa2: {  	_ = 	snop;
	(pc) =	sbr.rel @p0 .LBB2_1-.Ltmp3, $4  }
0xa3: {  	[hbm4b:s8+s3] =	stream.linear.scatter [tilespmem:s14], [sflag:$0x1], $0x9C40, $0x38;
	[tilespmem:$0x1AF80] =	vst v63  }
0xa4: {  	_ =	swait.ge [sflag:s11], $0x9C40  }
0xa5: {  	[sflag:s11] =	ssyncset.done $0x0  }
0xa6: {  	[sflag:s11] =	ssyncadd.s32 $0xFFFF63C0  }
0xa7: {  	_ =	sfence.sel $0x180000  }
0xa8: {  	[bflag:$0x0] =	sbarrier.arrive $0xFFFF  }
0xa9: {  	p0 =	sne.s32 s0, $0x0;
	_ =	strace $0x9000004A  }
0xaa: {  	s0 =	sadd.s32 @!p0 $0x100000, s2;
	[bflag:$0x2] =	sbarrier.arrive $0xFFFF  }
0xab: {  	[sflag:s0] =	ssyncadd.tile.s32 @!p0 $0x1;
	_ =	shalt  }
.Lfunc_end2:
_tile_overlayer_lowered:
.L_overlay_start_2:
0xac: {  	(tag) =	ssettag $0x2  }
0xad: {  	s0 =	rddreg [dreg:$0x0];
	s2 =	stileid.u32  }
0xae: {  	s1 =	rddreg [dreg:$0x1];
	p0 =	sne.s32 s2, $0x0  }
0xaf: {  	s3 =	rddreg [dreg:$0x2];
	[bflag:$0x3] =	sbarrier.arrive $0xFFFF;
	s2 =	simm.s32 @!p0 $0x1C01  }
0xb0: {  	[timem:s3], [sflag:s2] =	dma.local @!p0 [hbm:s0], s1  }
0xb1: {  	s0 =	simm.s32 @!p0 $0x1  }
0xb2: {  	_ =	swait.ge @!p0 [sflag:s0], s1  }
0xb3: {  	s1 =	ssub.s32 @!p0 $0x0, s1;
	[sflag:s0] =	ssyncset.done @!p0 $0x0  }
0xb4: {  	[sflag:s0] =	ssyncadd.s32 @!p0 s1  }
0xb5: {  	[bflag:$0x3] =	sbarrier.arrive $0xFFFF  }
0xb6: {  	_ =	shalt  }

// kernel: kernel.14.cloned.1.call-start
scs
__scs_entry_jumppad:
0x0: {  	(pc) =	sbr.rel $0x88, $3  }
0x1: {  	(tag) =	ssettag $0x0;
	lr =	simm.s32 $0x1  }
0x2: {  	[smem:$0x3F96] =	sst lr;
	_ =	strace $0xD0000000  }
0x3: {  	_ = 	snop  }
0x4: {  	_ = 	snop  }
0x5: {  	_ = 	snop  }
0x6: {  	_ = 	snop  }
0x7: {  	_ = 	snop  }
__scs_overlays_trampoline_lowered:
0x8: {  	[smem:$0x3FA5] =	sst s0  }
0x9: {  	[smem:$0x3FA6] =	sst s1  }
0xa: {  	[smem:$0x3FA7] =	sst s2  }
0xb: {  	[smem:$0x3FA8] =	sst s3  }
0xc: {  	[smem:$0x3FA9] =	sst s4  }
0xd: {  	[smem:$0x3FAA] =	sst s5  }
0xe: {  	[smem:$0x3FAB] =	sst s6  }
0xf: {  	[smem:$0x3FAC] =	sst s7  }
0x10: {  	[smem:$0x3FAD] =	sst s8  }
0x11: {  	[smem:$0x3FAE] =	sst s9;
	s0 =	simm.s32 @!p0 $0x0  }
0x12: {  	s1 =	sld [smem:$0x3F94];
	s0 =	simm.s32 @p0 $0x1  }
0x13: {  	[smem:$0x3FAF] =	sst s0;
	s0 =	simm.s32 @!p1 $0x0  }
0x14: {  	s2 =	sld [smem:$0x3F93];
	s0 =	simm.s32 @p1 $0x1  }
0x15: {  	[smem:$0x3FB0] =	sst s0;
	s0 =	simm.s32 @!p2 $0x0  }
0x16: {  	s3 =	sld [smem:$0x3FDB];
	s0 =	simm.s32 @p2 $0x1  }
0x17: {  	s4 =	simm.s32 $0x1BF5;
	[smem:$0x3FB2] =	sst s0  }
0x18: {  	s0 =	sld [smem:$0x3F95];
	_ =	swait.ge [sflag:s4], $0x0  }
0x19: {  	s7 =	sld [smem:$0x3F96]  }
0x1a: {  	s8 =	sadd.s32 $0xFFFFE003, lr  }
0x1b: {  	s9 =	sadd.s32 $0xFFFFFEF7, lr;
	s5 =	simm.s32 $0xFFFFFFFF;
	p2 =	slt.u32 s8, $0xFFFFF086  }
0x1c: {  	p1 =	slt.u32 s9, $0xF7A;
	s5 =	simm.s32 @!p2 $0x0  }
0x1d: {  	s5 =	simm.s32 @p1 $0x1;
	p0 =	seq.s32 s7, s2  }
0x1e: {  	s7 =	smul.u32 @!p0 $0xF7A, s2;
	p2 =	seq.s32 @!p0 s5, $0x0  }
0x1f: {  	s9 =	smul.u32 $0xF7A, s1;
	s8 =	simm.s32 @!p0 $0x1BF5;
	p2 =	por !p2, p0  }
0x20: {  	[sflag:s8] =	ssyncset.s32 @!p0 $0xFFFFF086;
	s6 =	sadd.s32 @!p0 s3, s7;
	s7 =	simm.s32 @!p0 $0x108  }
0x21: {  	s3 =	sadd.s32 s3, s9;
	s6 =	sadd.s32 @!p0 $0x88, s6;
	s7 =	simm.s32 @p2 $0x1082  }
0x22: {  	[simem:s7], [sflag:s8] =	dma.local @!p0 [hbm:s6], $0xF7A  }
0x23: {  	s9 =	sor.u32 $0xD0000000, s2;
	s6 =	simm.s32 $0x108;
	_ =	swait.ge @!p0 [sflag:s8], $0x0  }
0x24: {  	s3 =	sadd.s32 $0x88, s3;
	s6 =	simm.s32 @!p1 $0x1082;
	[sflag:s4] =	ssyncset.s32 $0xFFFFF086  }
0x25: {  	[simem:s6], [sflag:s4] =	dma.local [hbm:s3], $0xF7A  }
0x26: {  	[smem:$0x3F96] =	sst s1;
	(tag) =	ssettag s2;
	_ =	strace s9  }
0x27: {  	s1 =	sld [smem:$0x3FA6]  }
0x28: {  	s2 =	sld [smem:$0x3FA7]  }
0x29: {  	s4 =	sld [smem:$0x3FA9]  }
0x2a: {  	p0 =	seq.s32 s5, $0x0;
	s5 =	sld [smem:$0x3FAA]  }
0x2b: {  	s6 =	sld [smem:$0x3FAB]  }
0x2c: {  	s7 =	sld [smem:$0x3FAC]  }
0x2d: {  	s3 =	simm.s32 $0x108;
	s8 =	sld [smem:$0x3FAD]  }
0x2e: {  	s3 =	simm.s32 @!p0 $0x1082;
	s9 =	sld [smem:$0x3FAE]  }
0x2f: {  	lr =	sadd.s32 s0, s3;
	s0 =	sld [smem:$0x3FA5]  }
0x30: {  	s3 =	sld [smem:$0x3FA8]  }
0x31: {  	[smem:$0x3FB1] =	sst s10  }
0x32: {  	s10 =	sld [smem:$0x3FAF];
	_ =	sdelay $0x3  }
0x33: {  	p0 =	seq.s32 s10, $0x1;
	s10 =	sld [smem:$0x3FB1];
	_ =	sdelay $0x3  }
0x34: {  	[smem:$0x3FB1] =	sst s10  }
0x35: {  	s10 =	sld [smem:$0x3FB0];
	_ =	sdelay $0x3  }
0x36: {  	p1 =	seq.s32 s10, $0x1;
	s10 =	sld [smem:$0x3FB1];
	_ =	sdelay $0x3  }
0x37: {  	[smem:$0x3FB1] =	sst s10  }
0x38: {  	s10 =	sld [smem:$0x3FB2]  }
0x39: {  	_ = 	snop;
	(pc) =	sbr.ind lr, $3  }
0x3a: {  	_ = 	snop  }
0x3b: {  	_ = 	snop  }
0x3c: {  	p2 =	seq.s32 s10, $0x1;
	s10 =	sld [smem:$0x3FB1]  }
0x3d: {  	_ =	shalt  }
0x3e: {  	_ =	shalt  }
0x3f: {  	_ =	shalt  }
0x40: {  	_ =	shalt  }
0x41: {  	_ =	shalt  }
0x42: {  	_ =	shalt  }
0x43: {  	_ =	shalt  }
0x44: {  	_ =	shalt  }
0x45: {  	_ =	shalt  }
0x46: {  	_ =	shalt  }
0x47: {  	_ =	shalt  }
0x48: {  	_ =	shalt  }
0x49: {  	_ =	shalt  }
0x4a: {  	_ =	shalt  }
0x4b: {  	_ =	shalt  }
0x4c: {  	_ =	shalt  }
0x4d: {  	_ =	shalt  }
0x4e: {  	_ =	shalt  }
0x4f: {  	_ =	shalt  }
0x50: {  	_ =	shalt  }
0x51: {  	_ =	shalt  }
0x52: {  	_ =	shalt  }
0x53: {  	_ =	shalt  }
0x54: {  	_ =	shalt  }
0x55: {  	_ =	shalt  }
0x56: {  	_ =	shalt  }
0x57: {  	_ =	shalt  }
0x58: {  	_ =	shalt  }
0x59: {  	_ =	shalt  }
0x5a: {  	_ =	shalt  }
0x5b: {  	_ =	shalt  }
0x5c: {  	_ =	shalt  }
0x5d: {  	_ =	shalt  }
0x5e: {  	_ =	shalt  }
0x5f: {  	_ =	shalt  }
0x60: {  	_ =	shalt  }
0x61: {  	_ =	shalt  }
0x62: {  	_ =	shalt  }
0x63: {  	_ =	shalt  }
0x64: {  	_ =	shalt  }
0x65: {  	_ =	shalt  }
0x66: {  	_ =	shalt  }
0x67: {  	_ =	shalt  }
0x68: {  	_ =	shalt  }
0x69: {  	_ =	shalt  }
0x6a: {  	_ =	shalt  }
0x6b: {  	_ =	shalt  }
0x6c: {  	_ =	shalt  }
0x6d: {  	_ =	shalt  }
0x6e: {  	_ =	shalt  }
0x6f: {  	_ =	shalt  }
0x70: {  	_ =	shalt  }
0x71: {  	_ =	shalt  }
0x72: {  	_ =	shalt  }
0x73: {  	_ =	shalt  }
0x74: {  	_ =	shalt  }
0x75: {  	_ =	shalt  }
0x76: {  	_ =	shalt  }
0x77: {  	_ =	shalt  }
0x78: {  	_ =	shalt  }
0x79: {  	_ =	shalt  }
0x7a: {  	_ =	shalt  }
0x7b: {  	_ =	shalt  }
0x7c: {  	_ =	shalt  }
0x7d: {  	_ =	shalt  }
0x7e: {  	_ =	shalt  }
0x7f: {  	_ =	shalt  }
0x80: {  	_ =	shalt  }
0x81: {  	_ =	shalt  }
0x82: {  	_ =	shalt  }
0x83: {  	_ =	shalt  }
0x84: {  	_ =	shalt  }
0x85: {  	_ =	shalt  }
0x86: {  	_ =	shalt  }
0x87: {  	_ =	shalt  }
.Lfunc_end0:
.L_simem_size_0:
called_computation.2_lowered:
.L_overlay_start_0:
0x88: {  	s2 =	sld [smem:$0x3FD9]  }
0x89: {  	s3 =	sld [smem:$0x3FFE];
	_ =	sdelay $0x1  }
0x8a: {  	s1 =	srdreg.scid  }
0x8b: {  	s0 =	sand.u32 $0x1, s1  }
0x8c: {  	s17 =	sshll.u32 s0, $0xA;
	s2 =	sadd.s32 s3, s2  }
0x8d: {  	s2 =	sadd.s32 s2, s17  }
0x8e: {  	[smem:$0x3FBD] =	sst s2  }
0x8f: {  	_ = 	snop  }
0x90: {  	s2 =	sld [smem:$0x3FC6]  }
0x91: {  	s18 =	sld [smem:$0x3FC5]  }
0x92: {  	s4 =	sld [smem:$0x3FD0];
	(tm) =	ssettm $0x1  }
0x93: {  	s5 =	sld [smem:$0x3FFB];
	_ =	sdelay $0x3  }
0x94: {  	_ =	strace s5  }
0x95: {  	s5 =	sld [smem:$0x3FFC];
	_ =	sdelay $0x3  }
0x96: {  	_ =	strace s5  }
0x97: {  	s5 =	sld [smem:$0x3FFD];
	_ =	sdelay $0x3  }
0x98: {  	_ =	strace s5  }
0x99: {  	_ =	strace $0x8FFFFFFF  }
0x9a: {  	s19 =	sld [smem:$0x3FDB];
	_ =	sdelay $0x1  }
0x9b: {  	s6 =	simm.s32 $_scs_section_size  }
0x9c: {  	s7 =	simm.s32 $_size__tile_overlayer_lowered;
	s8 =	simm.s32 $_tile_overlayer_lowered  }
0x9d: {  	s22 =	simm.s32 $0x1BFF;
	s21 =	sshll.u32 s8, $0x1;
	s5 =	sadd.s32 s6, s19  }
0x9e: {  	s9 =	simm.s32 $0x0;
	s20 =	sshll.u32 s7, $0x1;
	s7 =	sadd.s32 s21, s5  }
0x9f: {  	[timem:s9], [sflag:s22] =	dma.local [hbm:s7], s20  }
0xa0: {  	_ =	swait.ge [sflag:s22], s20  }
0xa1: {  	s6 =	ssub.s32 $0x0, s20;
	[sflag:s22] =	ssyncset.done $0x0  }
0xa2: {  	[sflag:s22] =	ssyncadd.s32 s6;
	_ =	sdelay $0x1  }
0xa3: {  	s23 =	simm.s32 $0x1B8B  }
0xa4: {  	_ =	swait.ge [sflag:s23], $0x1  }
0xa5: {  	[sflag:s23] =	ssyncset.done $0x0  }
0xa6: {  	s25 =	simm.s32 $0x1B8E;
	s24 =	sld [smem:$0x3FFE];
	[sflag:s23] =	ssyncadd.s32 $0xFFFFFFFF  }
0xa7: {  	s26 =	simm.s32 $execute0_lowered;
	[smem:$0x3FD2] =	sst s25  }
0xa8: {  	s7 =	sshll.u32 s26, $0x1;
	_ =	strace $0x8000004C;
	[dreg:$0x1] =	wrdreg $0xFFFFFFFF  }
0xa9: {  	s28 =	simm.s32 $_size_execute0_lowered;
	s5 =	sadd.s32 s5, s7;
	[dreg:$0x0] =	wrdreg $0x0  }
0xaa: {  	s7 =	sshll.u32 s28, $0x1;
	[dreg:$0x2] =	wrdreg s5  }
0xab: {  	[dreg:$0x3] =	wrdreg s7  }
0xac: {  	[dreg:$0x4] =	wrdreg $0xC0  }
0xad: {  	_ =	task [dreg:s9], $0x5FFFF  }
0xae: {  	[dreg:$0x1] =	wrdreg $0xFFFFFFFF  }
0xaf: {  	[dreg:$0x0] =	wrdreg $0x60  }
0xb0: {  	[dreg:$0x2] =	wrdreg s4  }
0xb1: {  	[dreg:$0x3] =	wrdreg s24  }
0xb2: {  	[dreg:$0x4] =	wrdreg s2  }
0xb3: {  	[dreg:$0x5] =	wrdreg s18  }
0xb4: {  	[dreg:$0x6] =	wrdreg $0x9  }
0xb5: {  	_ =	task.clear_ibuf [dreg:s9], $0x7FFFF;
	_ =	strace $0x9000004C  }
0xb6: {  	s29 =	simm.s32 $0x9;
	_ =	strace $0x8000004E  }
0xb7: {  	_ =	swait.ge [sflag:s29], $0x1  }
0xb8: {  	[sflag:s29] =	ssyncadd.s32 $0xFFFFFFFF  }
0xb9: {  	_ =	strace $0x9000004E  }
0xba: {  	_ =	sfence  }
0xbb: {  	s30 =	sld [smem:$0x0];
	_ =	sdelay $0x2  }
0xbc: {  	s31 =	sshll.u32 s1, $0xD;
	s1 =	sshrl.u32 s1, $0x2  }
0xbd: {  	s3 =	sand.u32 $0x4000, s31;
	s1 =	sadd.s32 s1, s30  }
0xbe: {  	s0 =	sor.u32 s3, s0;
	s1 =	sshll.u32 s1, $0x11  }
0xbf: {  	s0 =	sor.u32 s1, s0  }
0xc0: {  	s0 =	sadd.s32 $0x8F2B, s0  }
0xc1: {  	[sflag:s0] =	ssyncadd.remote.s32 $0x1  }
0xc2: {  	_ =	sfence.sel $0xFFFF  }
0xc3: {  	[dreg:$0x0] =	wrdreg $0xFFFFFFFF;
	(pc) =	sbr.abs _section_cstart, $3  }
0xc4: {  	[dreg:$0x1] =	wrdreg $0xFFFFFFFF  }
0xc5: {  	_ =	task.clear_ibuf [dreg:s9], $0x2FFFF;
	_ =	strace $0x9FFFFFFF  }
0xc6: {  	(tm) =	ssettm $0x7FFFFFFF  }
0xc7: {  	_ =	shalt  }
tec
execute0_lowered:
.L_overlay_start_1:
0x0: {  	(tag) =	ssettag $0x1  }
0x1: {  	s1 =	rddreg [dreg:$0x0]  }
0x2: {  	s5 =	rddreg [dreg:$0x1]  }
0x3: {  	s7 =	rddreg [dreg:$0x2]  }
0x4: {  	s8 =	rddreg [dreg:$0x3]  }
0x5: {  	s0 =	rddreg [dreg:$0x4];
	s4 =	srdreg.scid;
	s3 =	simm.s32 $0x0  }
0x6: {  	s2 =	stileid.u32;
	s13 =	simm.s32 $0x2;
	s14 =	simm.s32 $0x5100  }
0x7: {  	s15 =	simm.s32 $0x5300;
	s16 =	simm.s32 $0x0;
	s6 =	sand.u32 $0x1, s4  }
0x8: {  	[smem:$0x7FF] =	sst s3;
	s9 =	smul.u32 $0x64, s2;
	s4 =	sadd.s32 $0x800, s5  }
0x9: {  	s10 =	ssub.s32 $0x2, s6;
	_ =	strace $0x8000004D;
	s30 =	smul.u32 $0x32, s6  }
.Ltmp0:
0xa: {  	s11 =	sshrl.u32 s10, $0x1;
	s12 =	sadd.s32 s9, s5;
	(pc) =	sbr.rel .LBB2_1-.Ltmp0, $4  }
0xb: {  	s5 =	sshll.u32 s2, $0x1;
	s7 =	sadd.s32 s9, s7;
	s8 =	sadd.s32 s9, s8  }
0xc: {  	s10 =	ssub.s32 s10, s11;
	s7 =	sadd.s32 s30, s7;
	s31 =	sadd.s32 s30, s12  }
0xd: {  	s8 =	sadd.s32 s30, s8;
	s11 =	simm.s32 $0x2780;
	s12 =	simm.s32 $0x4F00  }
0xe: {  	s6 =	smax.u32 s10, $0x1;
	s9 =	sadd.s32 $0xE00, s31;
	s10 =	simm.s32 $0x1  }
.LBB2_5:
0xf: {  	s16 =	sadd.s32 $0x1, s16  }
0x10: {  	p0 =	sne.s32 s16, s6  }
.Ltmp1:
0x11: {  	_ = 	snop;
	(pc) =	sbr.rel @!p0 .LBB2_6-.Ltmp1, $1  }
0x12: {  	_ =	sdelay $0x3  }
.LBB2_1:
0x13: {  	[tilespmem:s3], [sflag:$0x1] =	stream.linear.gather [hbm4b:s1+s3], $0x2780, $0x38;
	[tilespmem:$0x5500] =	vst v63  }
0x14: {  	_ =	swait.ge [sflag:s10], $0x2780  }
0x15: {  	[sflag:s10] =	ssyncset.done $0x0  }
.Ltmp2:
0x16: {  	[sflag:s10] =	ssyncadd.s32 $0xFFFFD880;
	(pc) =	sbr.rel .LBB2_2-.Ltmp2, $4  }
0x17: {  	[tilespmem:s11], [sflag:$0x1] =	stream.linear.gather [hbm4b:s4+s3], $0x2780, $0x38;
	[tilespmem:$0x5500] =	vst v63  }
0x18: {  	_ =	swait.ge [sflag:s10], $0x2780  }
0x19: {  	[sflag:s10] =	ssyncset.done $0x0  }
0x1a: {  	s17 =	smov.u32 s5;
	s18 =	simm.s32 $0x0;
	[sflag:s10] =	ssyncadd.s32 $0xFFFFD880  }
.LBB2_4:
0x1b: {  	s18 =	sadd.s32 $0x640, s18  }
0x1c: {  	p0 =	sne.s32 s18, $0x3200  }
.Ltmp3:
0x1d: {  	_ = 	snop;
	(pc) =	sbr.rel @!p0 .LBB2_5-.Ltmp3, $2  }
0x1e: {  	_ =	sdelay $0x2  }
0x1f: {  	s17 =	sadd.s32 $0x20, s17  }
.LBB2_2:
0x20: {  	p0 =	sgt.u32 s17, $0xF9  }
.Ltmp4:
0x21: {  	_ = 	snop;
	(pc) =	sbr.rel @p0 .LBB2_4-.Ltmp4, $1  }
0x22: {  	_ =	sdelay $0x3  }
0x23: {  	s19 =	sadd.s32 s18, s7  }
0x24: {  	[tilespmem:s12], [sflag:$0x2] =	stream.linear.gather [hbm4b:s19+s3], $0x190, $0x38;
	[tilespmem:$0x5500] =	vst v63  }
0x25: {  	_ =	swait.ge [sflag:s13], $0x190  }
0x26: {  	[sflag:s13] =	ssyncset.done $0x0  }
0x27: {  	s30 =	sadd.s32 s18, s8;
	[sflag:s13] =	ssyncadd.s32 $0xFFFFFE70  }
0x28: {  	[tilespmem:s14], [sflag:$0x2] =	stream.linear.gather [hbm4b:s30+s3], $0x190, $0x38;
	[tilespmem:$0x5500] =	vst v63  }
0x29: {  	_ =	swait.ge [sflag:s13], $0x190  }
0x2a: {  	[sflag:s13] =	ssyncset.done $0x0  }
0x2b: {  	[sflag:s13] =	ssyncadd.s32 $0xFFFFFE70  }
0x2c: {  	v0 =	vld [tilespmem:$0x4F00]  }
0x2d: {  	v1 =	vld [tilespmem:$0x5100];
	_ =	sdelay $0x5  }
0x2e: {  	v2 =	vld [tilespmem:$0x4F10]  }
0x2f: {  	v0 =	vld.idx.msk [tilespmem:v0+s3+$0x0], $0xffff  }
0x30: {  	v1 =	vld.idx.msk [tilespmem:v1+s11+$0x0], $0xffff  }
0x31: {  	v3 =	vld [tilespmem:$0x5110];
	_ =	sdelay $0x3  }
0x32: {  	v0 =	vadd.f32 v1, v0;
	_ =	sdelay $0x1  }
0x33: {  	v53 =	vld [tilespmem:$0x4F20];
	[tilespmem:$0x5300] =	vst v0  }
0x34: {  	v0 =	vld.idx.msk [tilespmem:v2+s3+$0x0], $0xffff  }
0x35: {  	v52 =	vld.idx.msk [tilespmem:v3+s11+$0x0], $0xffff  }
0x36: {  	v54 =	vld [tilespmem:$0x5120];
	_ =	sdelay $0x3  }
0x37: {  	v0 =	vadd.f32 v52, v0;
	_ =	sdelay $0x1  }
0x38: {  	v56 =	vld [tilespmem:$0x4F30];
	[tilespmem:$0x5310] =	vst v0  }
0x39: {  	v0 =	vld.idx.msk [tilespmem:v53+s3+$0x0], $0xffff  }
0x3a: {  	v55 =	vld.idx.msk [tilespmem:v54+s11+$0x0], $0xffff  }
0x3b: {  	v57 =	vld [tilespmem:$0x5130];
	_ =	sdelay $0x3  }
0x3c: {  	v0 =	vadd.f32 v55, v0;
	_ =	sdelay $0x1  }
0x3d: {  	v59 =	vld [tilespmem:$0x4F40];
	[tilespmem:$0x5320] =	vst v0  }
0x3e: {  	v0 =	vld.idx.msk [tilespmem:v56+s3+$0x0], $0xffff  }
0x3f: {  	v58 =	vld.idx.msk [tilespmem:v57+s11+$0x0], $0xffff  }
0x40: {  	v60 =	vld [tilespmem:$0x5140];
	_ =	sdelay $0x3  }
0x41: {  	v0 =	vadd.f32 v58, v0;
	_ =	sdelay $0x1  }
0x42: {  	v62 =	vld [tilespmem:$0x4F50];
	[tilespmem:$0x5330] =	vst v0  }
0x43: {  	v0 =	vld.idx.msk [tilespmem:v59+s3+$0x0], $0xffff  }
0x44: {  	v61 =	vld.idx.msk [tilespmem:v60+s11+$0x0], $0xffff  }
0x45: {  	v63 =	vld [tilespmem:$0x5150];
	_ =	sdelay $0x3  }
0x46: {  	v0 =	vadd.f32 v61, v0;
	_ =	sdelay $0x1  }
0x47: {  	v7 =	vld [tilespmem:$0x4F60];
	[tilespmem:$0x5340] =	vst v0  }
0x48: {  	v0 =	vld.idx.msk [tilespmem:v62+s3+$0x0], $0xffff  }
0x49: {  	v6 =	vld.idx.msk [tilespmem:v63+s11+$0x0], $0xffff  }
0x4a: {  	v8 =	vld [tilespmem:$0x5160];
	_ =	sdelay $0x3  }
0x4b: {  	v0 =	vadd.f32 v6, v0;
	_ =	sdelay $0x1  }
0x4c: {  	v10 =	vld [tilespmem:$0x4F70];
	[tilespmem:$0x5350] =	vst v0  }
0x4d: {  	v0 =	vld.idx.msk [tilespmem:v7+s3+$0x0], $0xffff  }
0x4e: {  	v9 =	vld.idx.msk [tilespmem:v8+s11+$0x0], $0xffff  }
0x4f: {  	v11 =	vld [tilespmem:$0x5170];
	_ =	sdelay $0x3  }
0x50: {  	v0 =	vadd.f32 v9, v0;
	_ =	sdelay $0x1  }
0x51: {  	v13 =	vld [tilespmem:$0x4F80];
	[tilespmem:$0x5360] =	vst v0  }
0x52: {  	v0 =	vld.idx.msk [tilespmem:v10+s3+$0x0], $0xffff  }
0x53: {  	v12 =	vld.idx.msk [tilespmem:v11+s11+$0x0], $0xffff  }
0x54: {  	v14 =	vld [tilespmem:$0x5180];
	_ =	sdelay $0x3  }
0x55: {  	v0 =	vadd.f32 v12, v0;
	_ =	sdelay $0x1  }
0x56: {  	v16 =	vld [tilespmem:$0x4F90];
	[tilespmem:$0x5370] =	vst v0  }
0x57: {  	v0 =	vld.idx.msk [tilespmem:v13+s3+$0x0], $0xffff  }
0x58: {  	v15 =	vld.idx.msk [tilespmem:v14+s11+$0x0], $0xffff  }
0x59: {  	v17 =	vld [tilespmem:$0x5190];
	_ =	sdelay $0x3  }
0x5a: {  	v0 =	vadd.f32 v15, v0;
	_ =	sdelay $0x1  }
0x5b: {  	v19 =	vld [tilespmem:$0x4FA0];
	[tilespmem:$0x5380] =	vst v0  }
0x5c: {  	v0 =	vld.idx.msk [tilespmem:v16+s3+$0x0], $0xffff  }
0x5d: {  	v18 =	vld.idx.msk [tilespmem:v17+s11+$0x0], $0xffff  }
0x5e: {  	v20 =	vld [tilespmem:$0x51A0];
	_ =	sdelay $0x3  }
0x5f: {  	v0 =	vadd.f32 v18, v0;
	_ =	sdelay $0x1  }
0x60: {  	v22 =	vld [tilespmem:$0x4FB0];
	[tilespmem:$0x5390] =	vst v0  }
0x61: {  	v0 =	vld.idx.msk [tilespmem:v19+s3+$0x0], $0xffff  }
0x62: {  	v21 =	vld.idx.msk [tilespmem:v20+s11+$0x0], $0xffff  }
0x63: {  	v23 =	vld [tilespmem:$0x51B0];
	_ =	sdelay $0x3  }
0x64: {  	v0 =	vadd.f32 v21, v0;
	_ =	sdelay $0x1  }
0x65: {  	v25 =	vld [tilespmem:$0x4FC0];
	[tilespmem:$0x53A0] =	vst v0  }
0x66: {  	v0 =	vld.idx.msk [tilespmem:v22+s3+$0x0], $0xffff  }
0x67: {  	v24 =	vld.idx.msk [tilespmem:v23+s11+$0x0], $0xffff  }
0x68: {  	v26 =	vld [tilespmem:$0x51C0];
	_ =	sdelay $0x3  }
0x69: {  	v0 =	vadd.f32 v24, v0;
	_ =	sdelay $0x1  }
0x6a: {  	v28 =	vld [tilespmem:$0x4FD0];
	[tilespmem:$0x53B0] =	vst v0  }
0x6b: {  	v0 =	vld.idx.msk [tilespmem:v25+s3+$0x0], $0xffff  }
0x6c: {  	v27 =	vld.idx.msk [tilespmem:v26+s11+$0x0], $0xffff  }
0x6d: {  	v29 =	vld [tilespmem:$0x51D0];
	_ =	sdelay $0x3  }
0x6e: {  	v0 =	vadd.f32 v27, v0;
	_ =	sdelay $0x1  }
0x6f: {  	v31 =	vld [tilespmem:$0x4FE0];
	[tilespmem:$0x53C0] =	vst v0  }
0x70: {  	v0 =	vld.idx.msk [tilespmem:v28+s3+$0x0], $0xffff  }
0x71: {  	v30 =	vld.idx.msk [tilespmem:v29+s11+$0x0], $0xffff  }
0x72: {  	v32 =	vld [tilespmem:$0x51E0];
	_ =	sdelay $0x3  }
0x73: {  	v0 =	vadd.f32 v30, v0;
	_ =	sdelay $0x1  }
0x74: {  	v34 =	vld [tilespmem:$0x4FF0];
	[tilespmem:$0x53D0] =	vst v0  }
0x75: {  	v0 =	vld.idx.msk [tilespmem:v31+s3+$0x0], $0xffff  }
0x76: {  	v33 =	vld.idx.msk [tilespmem:v32+s11+$0x0], $0xffff  }
0x77: {  	v35 =	vld [tilespmem:$0x51F0];
	_ =	sdelay $0x3  }
0x78: {  	v0 =	vadd.f32 v33, v0;
	_ =	sdelay $0x1  }
0x79: {  	v37 =	vld [tilespmem:$0x5000];
	[tilespmem:$0x53E0] =	vst v0  }
0x7a: {  	v0 =	vld.idx.msk [tilespmem:v34+s3+$0x0], $0xffff  }
0x7b: {  	v36 =	vld.idx.msk [tilespmem:v35+s11+$0x0], $0xffff  }
0x7c: {  	v38 =	vld [tilespmem:$0x5200];
	_ =	sdelay $0x3  }
0x7d: {  	v0 =	vadd.f32 v36, v0;
	_ =	sdelay $0x1  }
0x7e: {  	v40 =	vld [tilespmem:$0x5010];
	[tilespmem:$0x53F0] =	vst v0  }
0x7f: {  	v0 =	vld.idx.msk [tilespmem:v37+s3+$0x0], $0xffff  }
0x80: {  	v39 =	vld.idx.msk [tilespmem:v38+s11+$0x0], $0xffff  }
0x81: {  	v41 =	vld [tilespmem:$0x5210];
	_ =	sdelay $0x3  }
0x82: {  	v0 =	vadd.f32 v39, v0;
	_ =	sdelay $0x1  }
0x83: {  	v43 =	vld [tilespmem:$0x5020];
	[tilespmem:$0x5400] =	vst v0  }
0x84: {  	v0 =	vld.idx.msk [tilespmem:v40+s3+$0x0], $0xffff  }
0x85: {  	v42 =	vld.idx.msk [tilespmem:v41+s11+$0x0], $0xffff  }
0x86: {  	v44 =	vld [tilespmem:$0x5220];
	_ =	sdelay $0x3  }
0x87: {  	v0 =	vadd.f32 v42, v0;
	_ =	sdelay $0x1  }
0x88: {  	v46 =	vld [tilespmem:$0x5030];
	[tilespmem:$0x5410] =	vst v0  }
0x89: {  	v0 =	vld.idx.msk [tilespmem:v43+s3+$0x0], $0xffff  }
0x8a: {  	v45 =	vld.idx.msk [tilespmem:v44+s11+$0x0], $0xffff  }
0x8b: {  	v47 =	vld [tilespmem:$0x5230];
	_ =	sdelay $0x3  }
0x8c: {  	v0 =	vadd.f32 v45, v0;
	_ =	sdelay $0x1  }
0x8d: {  	v49 =	vld [tilespmem:$0x5040];
	[tilespmem:$0x5420] =	vst v0  }
0x8e: {  	v0 =	vld.idx.msk [tilespmem:v46+s3+$0x0], $0xffff  }
0x8f: {  	v48 =	vld.idx.msk [tilespmem:v47+s11+$0x0], $0xffff  }
0x90: {  	v50 =	vld [tilespmem:$0x5240];
	_ =	sdelay $0x3  }
0x91: {  	v0 =	vadd.f32 v48, v0;
	_ =	sdelay $0x1  }
0x92: {  	v52 =	vld [tilespmem:$0x5050];
	[tilespmem:$0x5430] =	vst v0  }
0x93: {  	v0 =	vld.idx.msk [tilespmem:v49+s3+$0x0], $0xffff  }
0x94: {  	v51 =	vld.idx.msk [tilespmem:v50+s11+$0x0], $0xffff  }
0x95: {  	v53 =	vld [tilespmem:$0x5250];
	_ =	sdelay $0x3  }
0x96: {  	v0 =	vadd.f32 v51, v0;
	_ =	sdelay $0x1  }
0x97: {  	v55 =	vld [tilespmem:$0x5060];
	[tilespmem:$0x5440] =	vst v0  }
0x98: {  	v0 =	vld.idx.msk [tilespmem:v52+s3+$0x0], $0xffff  }
0x99: {  	v54 =	vld.idx.msk [tilespmem:v53+s11+$0x0], $0xffff  }
0x9a: {  	v56 =	vld [tilespmem:$0x5260];
	_ =	sdelay $0x3  }
0x9b: {  	v0 =	vadd.f32 v54, v0;
	_ =	sdelay $0x1  }
0x9c: {  	v58 =	vld [tilespmem:$0x5070];
	[tilespmem:$0x5450] =	vst v0  }
0x9d: {  	v0 =	vld.idx.msk [tilespmem:v55+s3+$0x0], $0xffff  }
0x9e: {  	v57 =	vld.idx.msk [tilespmem:v56+s11+$0x0], $0xffff  }
0x9f: {  	v59 =	vld [tilespmem:$0x5270];
	_ =	sdelay $0x3  }
0xa0: {  	v0 =	vadd.f32 v57, v0;
	_ =	sdelay $0x1  }
0xa1: {  	v61 =	vld [tilespmem:$0x5080];
	[tilespmem:$0x5460] =	vst v0  }
0xa2: {  	v0 =	vld.idx.msk [tilespmem:v58+s3+$0x0], $0xffff  }
0xa3: {  	v60 =	vld.idx.msk [tilespmem:v59+s11+$0x0], $0xffff  }
0xa4: {  	v62 =	vld [tilespmem:$0x5280];
	_ =	sdelay $0x3  }
0xa5: {  	v0 =	vadd.f32 v60, v0;
	_ =	sdelay $0x1  }
0xa6: {  	[tilespmem:$0x5470] =	vst v0  }
0xa7: {  	v0 =	vld.idx.msk [tilespmem:v61+s3+$0x0], $0xffff  }
0xa8: {  	v63 =	vld.idx.msk [tilespmem:v62+s11+$0x0], $0xffff;
	_ =	sdelay $0x4  }
0xa9: {  	v0 =	vadd.f32 v63, v0;
	_ =	sdelay $0x1  }
.Ltmp5:
0xaa: {  	s31 =	sadd.s32 s18, s9;
	[tilespmem:$0x5480] =	vst v0;
	(pc) =	sbr.rel .LBB2_4-.Ltmp5, $4  }
0xab: {  	[hbm4b:s31+s3] =	stream.linear.scatter [tilespmem:s15], [sflag:$0x1], $0x190, $0x38;
	[tilespmem:$0x5500] =	vst v63  }
0xac: {  	_ =	swait.ge [sflag:s10], $0x190  }
0xad: {  	[sflag:s10] =	ssyncset.done $0x0  }
0xae: {  	[sflag:s10] =	ssyncadd.s32 $0xFFFFFE70  }
.LBB2_6:
0xaf: {  	_ =	sfence.sel $0x180000  }
0xb0: {  	[bflag:$0x0] =	sbarrier.arrive $0xFFFF  }
0xb1: {  	p0 =	sne.s32 s2, $0x0;
	_ =	strace $0x9000004D  }
0xb2: {  	s0 =	sadd.s32 @!p0 $0x100000, s0;
	[bflag:$0x2] =	sbarrier.arrive $0xFFFF  }
0xb3: {  	[sflag:s0] =	ssyncadd.tile.s32 @!p0 $0x1;
	_ =	shalt  }
.Lfunc_end2:
_tile_overlayer_lowered:
.L_overlay_start_2:
0xb4: {  	(tag) =	ssettag $0x2  }
0xb5: {  	s0 =	rddreg [dreg:$0x0];
	s2 =	stileid.u32  }
0xb6: {  	s1 =	rddreg [dreg:$0x1];
	p0 =	sne.s32 s2, $0x0  }
0xb7: {  	s3 =	rddreg [dreg:$0x2];
	[bflag:$0x3] =	sbarrier.arrive $0xFFFF;
	s2 =	simm.s32 @!p0 $0x1C01  }
0xb8: {  	[timem:s3], [sflag:s2] =	dma.local @!p0 [hbm:s0], s1  }
0xb9: {  	s0 =	simm.s32 @!p0 $0x1  }
0xba: {  	_ =	swait.ge @!p0 [sflag:s0], s1  }
0xbb: {  	s1 =	ssub.s32 @!p0 $0x0, s1;
	[sflag:s0] =	ssyncset.done @!p0 $0x0  }
0xbc: {  	[sflag:s0] =	ssyncadd.s32 @!p0 s1  }
0xbd: {  	[bflag:$0x3] =	sbarrier.arrive $0xFFFF  }
0xbe: {  	_ =	shalt  }

// kernel: kernel.8.cloned.1.call-start
scs
__scs_entry_jumppad:
0x0: {  	(pc) =	sbr.rel $0x88, $3  }
0x1: {  	(tag) =	ssettag $0x0;
	lr =	simm.s32 $0x1  }
0x2: {  	[smem:$0x3F96] =	sst lr;
	_ =	strace $0xD0000000  }
0x3: {  	_ = 	snop  }
0x4: {  	_ = 	snop  }
0x5: {  	_ = 	snop  }
0x6: {  	_ = 	snop  }
0x7: {  	_ = 	snop  }
__scs_overlays_trampoline_lowered:
0x8: {  	[smem:$0x3FA5] =	sst s0  }
0x9: {  	[smem:$0x3FA6] =	sst s1  }
0xa: {  	[smem:$0x3FA7] =	sst s2  }
0xb: {  	[smem:$0x3FA8] =	sst s3  }
0xc: {  	[smem:$0x3FA9] =	sst s4  }
0xd: {  	[smem:$0x3FAA] =	sst s5  }
0xe: {  	[smem:$0x3FAB] =	sst s6  }
0xf: {  	[smem:$0x3FAC] =	sst s7  }
0x10: {  	[smem:$0x3FAD] =	sst s8  }
0x11: {  	[smem:$0x3FAE] =	sst s9;
	s0 =	simm.s32 @!p0 $0x0  }
0x12: {  	s1 =	sld [smem:$0x3F94];
	s0 =	simm.s32 @p0 $0x1  }
0x13: {  	[smem:$0x3FAF] =	sst s0;
	s0 =	simm.s32 @!p1 $0x0  }
0x14: {  	s2 =	sld [smem:$0x3F93];
	s0 =	simm.s32 @p1 $0x1  }
0x15: {  	[smem:$0x3FB0] =	sst s0;
	s0 =	simm.s32 @!p2 $0x0  }
0x16: {  	s3 =	sld [smem:$0x3FDB];
	s0 =	simm.s32 @p2 $0x1  }
0x17: {  	s4 =	simm.s32 $0x1BF5;
	[smem:$0x3FB2] =	sst s0  }
0x18: {  	s0 =	sld [smem:$0x3F95];
	_ =	swait.ge [sflag:s4], $0x0  }
0x19: {  	s7 =	sld [smem:$0x3F96]  }
0x1a: {  	s8 =	sadd.s32 $0xFFFFE003, lr  }
0x1b: {  	s9 =	sadd.s32 $0xFFFFFEF7, lr;
	s5 =	simm.s32 $0xFFFFFFFF;
	p2 =	slt.u32 s8, $0xFFFFF086  }
0x1c: {  	p1 =	slt.u32 s9, $0xF7A;
	s5 =	simm.s32 @!p2 $0x0  }
0x1d: {  	s5 =	simm.s32 @p1 $0x1;
	p0 =	seq.s32 s7, s2  }
0x1e: {  	s7 =	smul.u32 @!p0 $0xF7A, s2;
	p2 =	seq.s32 @!p0 s5, $0x0  }
0x1f: {  	s9 =	smul.u32 $0xF7A, s1;
	s8 =	simm.s32 @!p0 $0x1BF5;
	p2 =	por !p2, p0  }
0x20: {  	[sflag:s8] =	ssyncset.s32 @!p0 $0xFFFFF086;
	s6 =	sadd.s32 @!p0 s3, s7;
	s7 =	simm.s32 @!p0 $0x108  }
0x21: {  	s3 =	sadd.s32 s3, s9;
	s6 =	sadd.s32 @!p0 $0x88, s6;
	s7 =	simm.s32 @p2 $0x1082  }
0x22: {  	[simem:s7], [sflag:s8] =	dma.local @!p0 [hbm:s6], $0xF7A  }
0x23: {  	s9 =	sor.u32 $0xD0000000, s2;
	s6 =	simm.s32 $0x108;
	_ =	swait.ge @!p0 [sflag:s8], $0x0  }
0x24: {  	s3 =	sadd.s32 $0x88, s3;
	s6 =	simm.s32 @!p1 $0x1082;
	[sflag:s4] =	ssyncset.s32 $0xFFFFF086  }
0x25: {  	[simem:s6], [sflag:s4] =	dma.local [hbm:s3], $0xF7A  }
0x26: {  	[smem:$0x3F96] =	sst s1;
	(tag) =	ssettag s2;
	_ =	strace s9  }
0x27: {  	s1 =	sld [smem:$0x3FA6]  }
0x28: {  	s2 =	sld [smem:$0x3FA7]  }
0x29: {  	s4 =	sld [smem:$0x3FA9]  }
0x2a: {  	p0 =	seq.s32 s5, $0x0;
	s5 =	sld [smem:$0x3FAA]  }
0x2b: {  	s6 =	sld [smem:$0x3FAB]  }
0x2c: {  	s7 =	sld [smem:$0x3FAC]  }
0x2d: {  	s3 =	simm.s32 $0x108;
	s8 =	sld [smem:$0x3FAD]  }
0x2e: {  	s3 =	simm.s32 @!p0 $0x1082;
	s9 =	sld [smem:$0x3FAE]  }
0x2f: {  	lr =	sadd.s32 s0, s3;
	s0 =	sld [smem:$0x3FA5]  }
0x30: {  	s3 =	sld [smem:$0x3FA8]  }
0x31: {  	[smem:$0x3FB1] =	sst s10  }
0x32: {  	s10 =	sld [smem:$0x3FAF];
	_ =	sdelay $0x3  }
0x33: {  	p0 =	seq.s32 s10, $0x1;
	s10 =	sld [smem:$0x3FB1];
	_ =	sdelay $0x3  }
0x34: {  	[smem:$0x3FB1] =	sst s10  }
0x35: {  	s10 =	sld [smem:$0x3FB0];
	_ =	sdelay $0x3  }
0x36: {  	p1 =	seq.s32 s10, $0x1;
	s10 =	sld [smem:$0x3FB1];
	_ =	sdelay $0x3  }
0x37: {  	[smem:$0x3FB1] =	sst s10  }
0x38: {  	s10 =	sld [smem:$0x3FB2]  }
0x39: {  	_ = 	snop;
	(pc) =	sbr.ind lr, $3  }
0x3a: {  	_ = 	snop  }
0x3b: {  	_ = 	snop  }
0x3c: {  	p2 =	seq.s32 s10, $0x1;
	s10 =	sld [smem:$0x3FB1]  }
0x3d: {  	_ =	shalt  }
0x3e: {  	_ =	shalt  }
0x3f: {  	_ =	shalt  }
0x40: {  	_ =	shalt  }
0x41: {  	_ =	shalt  }
0x42: {  	_ =	shalt  }
0x43: {  	_ =	shalt  }
0x44: {  	_ =	shalt  }
0x45: {  	_ =	shalt  }
0x46: {  	_ =	shalt  }
0x47: {  	_ =	shalt  }
0x48: {  	_ =	shalt  }
0x49: {  	_ =	shalt  }
0x4a: {  	_ =	shalt  }
0x4b: {  	_ =	shalt  }
0x4c: {  	_ =	shalt  }
0x4d: {  	_ =	shalt  }
0x4e: {  	_ =	shalt  }
0x4f: {  	_ =	shalt  }
0x50: {  	_ =	shalt  }
0x51: {  	_ =	shalt  }
0x52: {  	_ =	shalt  }
0x53: {  	_ =	shalt  }
0x54: {  	_ =	shalt  }
0x55: {  	_ =	shalt  }
0x56: {  	_ =	shalt  }
0x57: {  	_ =	shalt  }
0x58: {  	_ =	shalt  }
0x59: {  	_ =	shalt  }
0x5a: {  	_ =	shalt  }
0x5b: {  	_ =	shalt  }
0x5c: {  	_ =	shalt  }
0x5d: {  	_ =	shalt  }
0x5e: {  	_ =	shalt  }
0x5f: {  	_ =	shalt  }
0x60: {  	_ =	shalt  }
0x61: {  	_ =	shalt  }
0x62: {  	_ =	shalt  }
0x63: {  	_ =	shalt  }
0x64: {  	_ =	shalt  }
0x65: {  	_ =	shalt  }
0x66: {  	_ =	shalt  }
0x67: {  	_ =	shalt  }
0x68: {  	_ =	shalt  }
0x69: {  	_ =	shalt  }
0x6a: {  	_ =	shalt  }
0x6b: {  	_ =	shalt  }
0x6c: {  	_ =	shalt  }
0x6d: {  	_ =	shalt  }
0x6e: {  	_ =	shalt  }
0x6f: {  	_ =	shalt  }
0x70: {  	_ =	shalt  }
0x71: {  	_ =	shalt  }
0x72: {  	_ =	shalt  }
0x73: {  	_ =	shalt  }
0x74: {  	_ =	shalt  }
0x75: {  	_ =	shalt  }
0x76: {  	_ =	shalt  }
0x77: {  	_ =	shalt  }
0x78: {  	_ =	shalt  }
0x79: {  	_ =	shalt  }
0x7a: {  	_ =	shalt  }
0x7b: {  	_ =	shalt  }
0x7c: {  	_ =	shalt  }
0x7d: {  	_ =	shalt  }
0x7e: {  	_ =	shalt  }
0x7f: {  	_ =	shalt  }
0x80: {  	_ =	shalt  }
0x81: {  	_ =	shalt  }
0x82: {  	_ =	shalt  }
0x83: {  	_ =	shalt  }
0x84: {  	_ =	shalt  }
0x85: {  	_ =	shalt  }
0x86: {  	_ =	shalt  }
0x87: {  	_ =	shalt  }
.Lfunc_end0:
.L_simem_size_0:
called_computation_lowered:
.L_overlay_start_0:
0x88: {  	s2 =	sld [smem:$0x3FD9]  }
0x89: {  	s3 =	sld [smem:$0x3FFE];
	_ =	sdelay $0x1  }
0x8a: {  	s1 =	srdreg.scid  }
0x8b: {  	s0 =	sand.u32 $0x1, s1  }
0x8c: {  	s17 =	sshll.u32 s0, $0xA;
	s2 =	sadd.s32 s3, s2  }
0x8d: {  	s2 =	sadd.s32 s2, s17  }
0x8e: {  	[smem:$0x3FBD] =	sst s2  }
0x8f: {  	_ = 	snop  }
0x90: {  	s2 =	sld [smem:$0x3FC7];
	(tm) =	ssettm $0x1  }
0x91: {  	s18 =	sld [smem:$0x3FFB];
	_ =	sdelay $0x3  }
0x92: {  	_ =	strace s18  }
0x93: {  	s3 =	sld [smem:$0x3FFC];
	_ =	sdelay $0x3  }
0x94: {  	_ =	strace s3  }
0x95: {  	s3 =	sld [smem:$0x3FFD];
	_ =	sdelay $0x3  }
0x96: {  	_ =	strace s3  }
0x97: {  	_ =	strace $0x8FFFFFFF  }
0x98: {  	s19 =	sld [smem:$0x3FDB];
	_ =	sdelay $0x1  }
0x99: {  	s4 =	simm.s32 $_scs_section_size  }
0x9a: {  	s5 =	simm.s32 $_size__tile_overlayer_lowered;
	s6 =	simm.s32 $_tile_overlayer_lowered  }
0x9b: {  	s22 =	simm.s32 $0x1BFF;
	s21 =	sshll.u32 s6, $0x1;
	s3 =	sadd.s32 s4, s19  }
0x9c: {  	s7 =	simm.s32 $0x0;
	s20 =	sshll.u32 s5, $0x1;
	s5 =	sadd.s32 s21, s3  }
0x9d: {  	[timem:s7], [sflag:s22] =	dma.local [hbm:s5], s20  }
0x9e: {  	_ =	swait.ge [sflag:s22], s20  }
0x9f: {  	s4 =	ssub.s32 $0x0, s20;
	[sflag:s22] =	ssyncset.done $0x0  }
0xa0: {  	[sflag:s22] =	ssyncadd.s32 s4;
	_ =	sdelay $0x1  }
0xa1: {  	s23 =	simm.s32 $0x1B8B  }
0xa2: {  	_ =	swait.ge [sflag:s23], $0x1  }
0xa3: {  	[sflag:s23] =	ssyncset.done $0x0  }
0xa4: {  	s25 =	simm.s32 $0x1B8E;
	s24 =	sld [smem:$0x3FFE];
	[sflag:s23] =	ssyncadd.s32 $0xFFFFFFFF  }
0xa5: {  	s26 =	simm.s32 $execute0_lowered;
	[smem:$0x3FD2] =	sst s25  }
0xa6: {  	s5 =	sshll.u32 s26, $0x1;
	_ =	strace $0x80000046;
	[dreg:$0x1] =	wrdreg $0xFFFFFFFF  }
0xa7: {  	s28 =	simm.s32 $_size_execute0_lowered;
	s3 =	sadd.s32 s3, s5;
	[dreg:$0x0] =	wrdreg $0x0  }
0xa8: {  	s5 =	sshll.u32 s28, $0x1;
	[dreg:$0x2] =	wrdreg s3  }
0xa9: {  	[dreg:$0x3] =	wrdreg s5  }
0xaa: {  	[dreg:$0x4] =	wrdreg $0xC0  }
0xab: {  	_ =	task [dreg:s7], $0x5FFFF  }
0xac: {  	[dreg:$0x1] =	wrdreg $0xFFFFFFFF  }
0xad: {  	[dreg:$0x0] =	wrdreg $0x60  }
0xae: {  	[dreg:$0x2] =	wrdreg s24  }
0xaf: {  	[dreg:$0x3] =	wrdreg s2  }
0xb0: {  	[dreg:$0x4] =	wrdreg $0x9  }
0xb1: {  	_ =	task.clear_ibuf [dreg:s7], $0x5FFFF;
	_ =	strace $0x90000046  }
0xb2: {  	s29 =	simm.s32 $0x9;
	_ =	strace $0x80000048  }
0xb3: {  	_ =	swait.ge [sflag:s29], $0x1  }
0xb4: {  	[sflag:s29] =	ssyncadd.s32 $0xFFFFFFFF  }
0xb5: {  	_ =	strace $0x90000048  }
0xb6: {  	_ =	sfence  }
0xb7: {  	s30 =	sld [smem:$0x0];
	_ =	sdelay $0x2  }
0xb8: {  	s31 =	sshll.u32 s1, $0xD;
	s1 =	sshrl.u32 s1, $0x2  }
0xb9: {  	s3 =	sand.u32 $0x4000, s31;
	s1 =	sadd.s32 s1, s30  }
0xba: {  	s0 =	sor.u32 s3, s0;
	s1 =	sshll.u32 s1, $0x11  }
0xbb: {  	s0 =	sor.u32 s1, s0  }
0xbc: {  	s0 =	sadd.s32 $0x8F2B, s0  }
0xbd: {  	[sflag:s0] =	ssyncadd.remote.s32 $0x1  }
0xbe: {  	_ =	sfence.sel $0xFFFF  }
0xbf: {  	[dreg:$0x0] =	wrdreg $0xFFFFFFFF;
	(pc) =	sbr.abs _section_cstart, $3  }
0xc0: {  	[dreg:$0x1] =	wrdreg $0xFFFFFFFF  }
0xc1: {  	_ =	task.clear_ibuf [dreg:s7], $0x2FFFF;
	_ =	strace $0x9FFFFFFF  }
0xc2: {  	(tm) =	ssettm $0x7FFFFFFF  }
0xc3: {  	_ =	shalt  }
tec
execute0_lowered:
.L_overlay_start_1:
0x0: {  	(tag) =	ssettag $0x1  }
0x1: {  	s6 =	rddreg [dreg:$0x0]  }
0x2: {  	s2 =	rddreg [dreg:$0x1]  }
0x3: {  	s0 =	stileid.u32;
	s4 =	srdreg.scid  }
0x4: {  	s1 =	rddreg [dreg:$0x2];
	s3 =	simm.s32 $0x0;
	s12 =	simm.s32 $0x2780  }
0x5: {  	s13 =	simm.s32 $0x4F00;
	s14 =	simm.s32 $0x11300;
	s15 =	simm.s32 $0x0  }
0x6: {  	s5 =	smul.u32 $0x9C40, s0;
	s7 =	sand.u32 $0x1, s4;
	[smem:$0x7FF] =	sst s3  }
0x7: {  	s4 =	sadd.s32 $0x1E000, s6;
	s8 =	smul.u32 $0x9C400, s7;
	_ =	strace $0x80000047  }
0x8: {  	s10 =	ssub.s32 $0x2, s7;
	s7 =	smul.u32 $0x27100, s7;
	s31 =	sshrl.u32 s5, $0x3  }
0x9: {  	s11 =	sshrl.u32 s10, $0x1;
	s9 =	sadd.s32 s31, s6;
	s8 =	sadd.s32 s5, s8  }
0xa: {  	s5 =	sadd.s32 $0x14200, s6;
	s10 =	ssub.s32 s10, s11;
	s8 =	sshrl.u32 s8, $0x3  }
0xb: {  	s11 =	simm.s32 $0x1;
	s8 =	sadd.s32 s8, s6;
	s6 =	sadd.s32 $0x800, s9  }
0xc: {  	v0 =	vimm.f32 $0.0e+00;
	s9 =	smax.u32 s10, $0x1;
	s10 =	simm.s32 $0x7680;
	s8 =	sadd.s32 $0x27E00, s8  }
.LBB2_1:
0xd: {  	[tilespmem:s10], [sflag:$0x1] =	stream.linear.gather [hbm4b:s6+s3], $0x9C40, $0x38;
	[tilespmem:$0x1AF80] =	vst v63  }
0xe: {  	_ =	swait.ge [sflag:s11], $0x9C40  }
0xf: {  	[sflag:s11] =	ssyncset.done $0x0  }
0x10: {  	s16 =	simm.s32 $0x0;
	[sflag:s11] =	ssyncadd.s32 $0xFFFF63C0  }
.LBB2_2:
0x11: {  	p0 =	sne.s32 s16, $0x270C0  }
.Ltmp0:
0x12: {  	_ = 	snop;
	(pc) =	sbr.rel @p0 .LBB2_2-.Ltmp0, $3  }
0x13: {  	_ =	sdelay $0x1  }
0x14: {  	s17 =	sshra.s32 s16, $0x2  }
0x15: {  	s16 =	sadd.s32 $0x40, s16;
	[tilespmem:s17+$0x11300] =	vst v0  }
0x16: {  	s16 =	simm.s32 $0x0  }
.LBB2_4:
0x17: {  	s17 =	smul.u32 $0x2710, s16;
	_ =	sdelay $0x1  }
0x18: {  	s17 =	sadd.s32 s7, s17  }
0x19: {  	s17 =	sshrl.u32 s17, $0x3  }
0x1a: {  	s18 =	sadd.s32 s4, s17  }
0x1b: {  	[tilespmem:s3], [sflag:$0x1] =	stream.linear.gather [hbm4b:s18+s3], $0x2710, $0x38;
	[tilespmem:$0x1AF80] =	vst v63  }
0x1c: {  	_ =	swait.ge [sflag:s11], $0x2710  }
0x1d: {  	[sflag:s11] =	ssyncset.done $0x0  }
0x1e: {  	s30 =	sadd.s32 s5, s17;
	[sflag:s11] =	ssyncadd.s32 $0xFFFFD8F0  }
0x1f: {  	[tilespmem:s12], [sflag:$0x1] =	stream.linear.gather [hbm4b:s30+s3], $0x2710, $0x38;
	[tilespmem:$0x1AF80] =	vst v63  }
0x20: {  	_ =	swait.ge [sflag:s11], $0x2710  }
0x21: {  	[sflag:s11] =	ssyncset.done $0x0  }
0x22: {  	s17 =	sadd.s32 s2, s17;
	[sflag:s11] =	ssyncadd.s32 $0xFFFFD8F0  }
0x23: {  	[tilespmem:s13], [sflag:$0x1] =	stream.linear.gather [hbm4b:s17+s3], $0x2710, $0x38;
	[tilespmem:$0x1AF80] =	vst v63  }
0x24: {  	_ =	swait.ge [sflag:s11], $0x2710  }
0x25: {  	[sflag:s11] =	ssyncset.done $0x0  }
0x26: {  	s31 =	simm.s32 $0x20;
	[sflag:s11] =	ssyncadd.s32 $0xFFFFD8F0  }
0x27: {  	v4 =	vld [tilespmem:s31+$0x10];
	_ =	sdelay $0x3  }
0x28: {  	v5 =	vld [tilespmem:s31+$0xFFFFFFF0]  }
0x29: {  	s17 =	simm.s32 $0x27A0;
	v6 =	vld [tilespmem:s31+$0xFFFFFFE0]  }
0x2a: {  	s18 =	simm.s32 $0x4F20;
	v8 =	vld [tilespmem:s17+$0x10]  }
0x2b: {  	v9 =	vld [tilespmem:s18+$0x10]  }
0x2c: {  	v2 =	vld.idx.msk [tilespmem:v4+s10+$0x0], $0xffff  }
0x2d: {  	v7 =	vld [tilespmem:s31+$0x0]  }
0x2e: {  	v1 =	vld [tilespmem:s18+$0xFFFFFFE0]  }
0x2f: {  	v15 =	vld [tilespmem:s17+$0xFFFFFFE0];
	v3 =	vadd.s32 $0x2710, v4  }
0x30: {  	v16 =	vld [tilespmem:s17+$0xFFFFFFF0]  }
0x31: {  	v17 =	vld [tilespmem:s17+$0x0];
	v13 =	vmul.f32 v2, v9  }
0x32: {  	v11 =	vld.idx.msk [tilespmem:v6+s10+$0x0], $0xffff  }
0x33: {  	[tilespmem:v8+s14+$0x0] =	vst.idx.add.f32.msk $0xffff, v13  }
0x34: {  	v13 =	vld.idx.msk [tilespmem:v3+s10+$0x0], $0xffff  }
0x35: {  	v10 =	vld.idx.msk [tilespmem:v5+s10+$0x0], $0xffff  }
0x36: {  	v14 =	vadd.s32 $0x2710, v8;
	v12 =	vld.idx.msk [tilespmem:v7+s10+$0x0], $0xffff  }
0x37: {  	v18 =	vadd.s32 $0x4E20, v4;
	v2 =	vld [tilespmem:s18+$0xFFFFFFF0]  }
0x38: {  	v19 =	vadd.s32 $0x2710, v6;
	v11 =	vmul.f32 v11, v1;
	v3 =	vld [tilespmem:s18+$0x0]  }
0x39: {  	v13 =	vmul.f32 v13, v9  }
0x3a: {  	[tilespmem:v15+s14+$0x0] =	vst.idx.add.f32.msk $0xffff, v11  }
0x3b: {  	[tilespmem:v14+s14+$0x0] =	vst.idx.add.f32.msk $0xffff, v13;
	v13 =	vadd.s32 $0x2710, v5  }
0x3c: {  	v60 =	vadd.s32 $0x2710, v7;
	v10 =	vmul.f32 v10, v2;
	v14 =	vld.idx.msk [tilespmem:v18+s10+$0x0], $0xffff  }
0x3d: {  	v11 =	vld.idx.msk [tilespmem:v19+s10+$0x0], $0xffff;
	v12 =	vmul.f32 v12, v3  }
0x3e: {  	[tilespmem:v16+s14+$0x0] =	vst.idx.add.f32.msk $0xffff, v10;
	v10 =	vadd.s32 $0x4E20, v8  }
0x3f: {  	v4 =	vadd.s32 $0x7530, v4;
	[tilespmem:v17+s14+$0x0] =	vst.idx.add.f32.msk $0xffff, v12  }
0x40: {  	v12 =	vld.idx.msk [tilespmem:v13+s10+$0x0], $0xffff  }
0x41: {  	v18 =	vld.idx.msk [tilespmem:v60+s10+$0x0], $0xffff;
	v13 =	vadd.s32 $0x2710, v15;
	v14 =	vmul.f32 v14, v9  }
0x42: {  	v61 =	vadd.s32 $0x2710, v16  }
0x43: {  	v20 =	vadd.s32 $0x2710, v17;
	[tilespmem:v10+s14+$0x0] =	vst.idx.add.f32.msk $0xffff, v14  }
0x44: {  	v14 =	vadd.s32 $0x4E20, v6;
	v21 =	vld.idx.msk [tilespmem:v4+s10+$0x0], $0xffff;
	v4 =	vmul.f32 v11, v1  }
0x45: {  	v11 =	vadd.s32 $0x4E20, v5;
	v10 =	vmul.f32 v12, v2  }
0x46: {  	v62 =	vadd.s32 $0x7530, v8;
	v12 =	vmul.f32 v18, v3;
	[tilespmem:v13+s14+$0x0] =	vst.idx.add.f32.msk $0xffff, v4  }
0x47: {  	[tilespmem:v61+s14+$0x0] =	vst.idx.add.f32.msk $0xffff, v10  }
0x48: {  	v8 =	vadd.s32 $0x7530, v16;
	v4 =	vadd.s32 $0x7530, v5;
	[tilespmem:v20+s14+$0x0] =	vst.idx.add.f32.msk $0xffff, v12  }
0x49: {  	v5 =	vadd.s32 $0x7530, v7;
	v10 =	vadd.s32 $0x4E20, v7;
	v14 =	vld.idx.msk [tilespmem:v14+s10+$0x0], $0xffff;
	v63 =	vmul.f32 v21, v9  }
0x4a: {  	v7 =	vadd.s32 $0x7530, v6;
	v12 =	vadd.s32 $0x4E20, v15;
	v6 =	vadd.s32 $0x7530, v15;
	v15 =	vld.idx.msk [tilespmem:v11+s10+$0x0], $0xffff  }
0x4b: {  	s19 =	simm.s32 $0x0;
	s20 =	simm.s32 $0x60;
	v13 =	vadd.s32 $0x4E20, v16;
	v11 =	vadd.s32 $0x4E20, v17;
	v9 =	vadd.s32 $0x7530, v17;
	[tilespmem:v62+s14+$0x0] =	vst.idx.add.f32.msk $0xffff, v63  }
.LBB2_5:
0x4c: {  	v16 =	vld [tilespmem:s20+$0x10];
	s19 =	sadd.s32 $0x40, s19  }
0x4d: {  	v17 =	vld [tilespmem:s20+$0xFFFFFFF0];
	p0 =	slt.u32 s19, $0x26C0  }
0x4e: {  	v18 =	vld [tilespmem:s20+$0x0]  }
0x4f: {  	v14 =	vmul.f32 v14, v1;
	v19 =	vld [tilespmem:s20+$0xFFFFFFE0]  }
0x50: {  	v15 =	vmul.f32 v15, v2;
	v20 =	vld.idx.msk [tilespmem:v10+s10+$0x0], $0xffff  }
0x51: {  	[tilespmem:v12+s14+$0x0] =	vst.idx.add.f32.msk $0xffff, v14  }
0x52: {  	s17 =	sadd.s32 $0x40, s17;
	v14 =	vadd.s32 $0x2710, v17;
	v21 =	vadd.s32 $0x4E20, v17;
	v22 =	vadd.s32 $0x7530, v17;
	[tilespmem:v13+s14+$0x0] =	vst.idx.add.f32.msk $0xffff, v15  }
0x53: {  	v15 =	vadd.s32 $0x2710, v18;
	v10 =	vadd.s32 $0x4E20, v18;
	v23 =	vadd.s32 $0x7530, v18;
	v24 =	vld [tilespmem:s17+$0x10]  }
0x54: {  	s18 =	sadd.s32 $0x40, s18;
	v25 =	vadd.s32 $0x2710, v19;
	v26 =	vadd.s32 $0x4E20, v19;
	v12 =	vadd.s32 $0x7530, v19;
	v13 =	vld.idx.msk [tilespmem:v16+s10+$0x0], $0xffff  }
0x55: {  	v27 =	vld [tilespmem:s18+$0x10]  }
0x56: {  	v20 =	vmul.f32 v20, v3;
	v17 =	vld.idx.msk [tilespmem:v17+s10+$0x0], $0xffff  }
0x57: {  	v19 =	vld.idx.msk [tilespmem:v19+s10+$0x0], $0xffff  }
0x58: {  	v28 =	vadd.s32 $0x2710, v16;
	v18 =	vld.idx.msk [tilespmem:v18+s10+$0x0], $0xffff  }
0x59: {  	v29 =	vld [tilespmem:s18+$0xFFFFFFE0]  }
0x5a: {  	v30 =	vld [tilespmem:s18+$0xFFFFFFF0];
	v13 =	vmul.f32 v13, v27  }
0x5b: {  	v31 =	vld [tilespmem:s18+$0x0]  }
0x5c: {  	[tilespmem:v24+s14+$0x0] =	vst.idx.add.f32.msk $0xffff, v13  }
0x5d: {  	v13 =	vld.idx.msk [tilespmem:v28+s10+$0x0], $0xffff  }
0x5e: {  	v28 =	vld [tilespmem:s17+$0xFFFFFFE0];
	v19 =	vmul.f32 v19, v29  }
0x5f: {  	v32 =	vld [tilespmem:s17+$0xFFFFFFF0];
	v17 =	vmul.f32 v17, v30  }
0x60: {  	v34 =	vadd.s32 $0x2710, v24;
	v33 =	vld [tilespmem:s17+$0x0];
	v18 =	vmul.f32 v18, v31  }
0x61: {  	v35 =	vadd.s32 $0x4E20, v16;
	[tilespmem:v11+s14+$0x0] =	vst.idx.add.f32.msk $0xffff, v20  }
0x62: {  	v20 =	vld.idx.msk [tilespmem:v7+s10+$0x0], $0xffff;
	v7 =	vmov v12  }
0x63: {  	v37 =	vmul.f32 v13, v27;
	v36 =	vadd.s32 $0x2710, v28;
	v12 =	vadd.s32 $0x4E20, v28;
	v38 =	vld.idx.msk [tilespmem:v4+s10+$0x0], $0xffff;
	v4 =	vmovc v22  }
0x64: {  	v22 =	vadd.s32 $0x7530, v28;
	v39 =	vadd.s32 $0x2710, v32;
	v13 =	vadd.s32 $0x4E20, v32;
	v40 =	vld.idx.msk [tilespmem:v5+s10+$0x0], $0xffff;
	v5 =	vmovc v23  }
0x65: {  	v23 =	vadd.s32 $0x7530, v32;
	v41 =	vadd.s32 $0x2710, v33;
	v11 =	vadd.s32 $0x4E20, v33;
	[tilespmem:v34+s14+$0x0] =	vst.idx.add.f32.msk $0xffff, v37  }
0x66: {  	v34 =	vadd.s32 $0x7530, v33;
	v35 =	vld.idx.msk [tilespmem:v35+s10+$0x0], $0xffff  }
0x67: {  	[tilespmem:v28+s14+$0x0] =	vst.idx.add.f32.msk $0xffff, v19  }
0x68: {  	[tilespmem:v32+s14+$0x0] =	vst.idx.add.f32.msk $0xffff, v17;
	v17 =	vmul.f32 v20, v1;
	v1 =	vmov v29  }
0x69: {  	v19 =	vmul.f32 v38, v2;
	v2 =	vmov v30;
	[tilespmem:v33+s14+$0x0] =	vst.idx.add.f32.msk $0xffff, v18;
	v18 =	vadd.s32 $0x4E20, v24  }
0x6a: {  	v16 =	vadd.s32 $0x7530, v16;
	v20 =	vld.idx.msk [tilespmem:v25+s10+$0x0], $0xffff;
	v25 =	vmul.f32 v40, v3;
	v3 =	vmov v31  }
0x6b: {  	v14 =	vld.idx.msk [tilespmem:v14+s10+$0x0], $0xffff  }
0x6c: {  	v28 =	vmul.f32 v35, v27;
	v15 =	vld.idx.msk [tilespmem:v15+s10+$0x0], $0xffff  }
0x6d: {  	[tilespmem:v6+s14+$0x0] =	vst.idx.add.f32.msk $0xffff, v17;
	v6 =	vmov v22  }
0x6e: {  	[tilespmem:v18+s14+$0x0] =	vst.idx.add.f32.msk $0xffff, v28  }
0x6f: {  	v16 =	vld.idx.msk [tilespmem:v16+s10+$0x0], $0xffff  }
0x70: {  	v17 =	vmul.f32 v20, v1;
	[tilespmem:v8+s14+$0x0] =	vst.idx.add.f32.msk $0xffff, v19;
	v8 =	vmov v23  }
0x71: {  	v14 =	vmul.f32 v14, v2;
	[tilespmem:v9+s14+$0x0] =	vst.idx.add.f32.msk $0xffff, v25;
	v9 =	vmov v34  }
0x72: {  	v15 =	vmul.f32 v15, v3;
	[tilespmem:v36+s14+$0x0] =	vst.idx.add.f32.msk $0xffff, v17;
	v17 =	vadd.s32 $0x7530, v24  }
.Ltmp1:
0x73: {  	[tilespmem:v39+s14+$0x0] =	vst.idx.add.f32.msk $0xffff, v14;
	(pc) =	sbr.rel @p0 .LBB2_5-.Ltmp1, $4  }
0x74: {  	[tilespmem:v41+s14+$0x0] =	vst.idx.add.f32.msk $0xffff, v15  }
0x75: {  	v16 =	vmul.f32 v16, v27;
	v14 =	vld.idx.msk [tilespmem:v26+s10+$0x0], $0xffff  }
0x76: {  	v15 =	vld.idx.msk [tilespmem:v21+s10+$0x0], $0xffff  }
0x77: {  	s20 =	sadd.s32 $0x40, s20;
	[tilespmem:v17+s14+$0x0] =	vst.idx.add.f32.msk $0xffff, v16  }
0x78: {  	_ =	sdelay $0x3  }
0x79: {  	v10 =	vld.idx.msk [tilespmem:v10+s10+$0x0], $0xffff  }
0x7a: {  	v14 =	vmul.f32 v14, v1  }
0x7b: {  	v15 =	vmul.f32 v15, v2  }
0x7c: {  	[tilespmem:v12+s14+$0x0] =	vst.idx.add.f32.msk $0xffff, v14  }
0x7d: {  	[tilespmem:v13+s14+$0x0] =	vst.idx.add.f32.msk $0xffff, v15  }
0x7e: {  	v10 =	vmul.f32 v10, v3;
	v7 =	vld.idx.msk [tilespmem:v7+s10+$0x0], $0xffff  }
0x7f: {  	v4 =	vld.idx.msk [tilespmem:v4+s10+$0x0], $0xffff  }
0x80: {  	[tilespmem:v11+s14+$0x0] =	vst.idx.add.f32.msk $0xffff, v10  }
0x81: {  	v5 =	vld.idx.msk [tilespmem:v5+s10+$0x0], $0xffff;
	_ =	sdelay $0x2  }
0x82: {  	v1 =	vmul.f32 v7, v1  }
0x83: {  	v2 =	vmul.f32 v4, v2  }
0x84: {  	[tilespmem:v6+s14+$0x0] =	vst.idx.add.f32.msk $0xffff, v1;
	v3 =	vmul.f32 v5, v3  }
0x85: {  	[tilespmem:v8+s14+$0x0] =	vst.idx.add.f32.msk $0xffff, v2  }
0x86: {  	[tilespmem:v9+s14+$0x0] =	vst.idx.add.f32.msk $0xffff, v3  }
0x87: {  	v1 =	vld [tilespmem:$0x2700];
	_ =	sdelay $0x5  }
0x88: {  	v2 =	vld [tilespmem:$0x4E80]  }
0x89: {  	v3 =	vld [tilespmem:$0x7600]  }
0x8a: {  	v59 =	vld.idx.msk [tilespmem:v1+s10+$0x0], $0xffff;
	_ =	sdelay $0x2  }
0x8b: {  	v60 =	vadd.s32 $0x2710, v1;
	_ =	sdelay $0x1  }
0x8c: {  	v4 =	vmul.f32 v59, v3;
	_ =	sdelay $0x1  }
0x8d: {  	[tilespmem:v2+s14+$0x0] =	vst.idx.add.f32.msk $0xffff, v4  }
0x8e: {  	v4 =	vld.idx.msk [tilespmem:v60+s10+$0x0], $0xffff;
	_ =	sdelay $0x1  }
0x8f: {  	v61 =	vadd.s32 $0x2710, v2  }
0x90: {  	v62 =	vadd.s32 $0x4E20, v1;
	_ =	sdelay $0x1  }
0x91: {  	v4 =	vmul.f32 v4, v3;
	_ =	sdelay $0x1  }
0x92: {  	[tilespmem:v61+s14+$0x0] =	vst.idx.add.f32.msk $0xffff, v4  }
0x93: {  	v4 =	vld.idx.msk [tilespmem:v62+s10+$0x0], $0xffff;
	_ =	sdelay $0x1  }
0x94: {  	v63 =	vadd.s32 $0x4E20, v2  }
0x95: {  	v1 =	vadd.s32 $0x7530, v1;
	_ =	sdelay $0x1  }
0x96: {  	v4 =	vmul.f32 v4, v3;
	_ =	sdelay $0x1  }
0x97: {  	[tilespmem:v63+s14+$0x0] =	vst.idx.add.f32.msk $0xffff, v4  }
0x98: {  	v1 =	vld.idx.msk [tilespmem:v1+s10+$0x0], $0xffff  }
0x99: {  	s16 =	sadd.s32 $0x1, s16  }
0x9a: {  	p0 =	sne.s32 s16, $0x10;
	v2 =	vadd.s32 $0x7530, v2  }
.Ltmp2:
0x9b: {  	_ = 	snop;
	(pc) =	sbr.rel @p0 .LBB2_4-.Ltmp2, $3  }
0x9c: {  	_ = 	snop  }
0x9d: {  	v1 =	vmul.f32 v1, v3;
	_ =	sdelay $0x1  }
0x9e: {  	[tilespmem:v2+s14+$0x0] =	vst.idx.add.f32.msk $0xffff, v1  }
0x9f: {  	s15 =	sadd.s32 $0x1, s15  }
0xa0: {  	p0 =	sne.s32 s15, s9  }
.Ltmp3:
0xa1: {  	_ = 	snop;
	(pc) =	sbr.rel @p0 .LBB2_1-.Ltmp3, $4  }
0xa2: {  	[hbm4b:s8+s3] =	stream.linear.scatter [tilespmem:s14], [sflag:$0x1], $0x9C40, $0x38;
	[tilespmem:$0x1AF80] =	vst v63  }
0xa3: {  	_ =	swait.ge [sflag:s11], $0x9C40  }
0xa4: {  	[sflag:s11] =	ssyncset.done $0x0  }
0xa5: {  	[sflag:s11] =	ssyncadd.s32 $0xFFFF63C0  }
0xa6: {  	_ =	sfence.sel $0x180000  }
0xa7: {  	[bflag:$0x0] =	sbarrier.arrive $0xFFFF  }
0xa8: {  	p0 =	sne.s32 s0, $0x0;
	_ =	strace $0x90000047  }
0xa9: {  	s0 =	sadd.s32 @!p0 $0x100000, s1;
	[bflag:$0x2] =	sbarrier.arrive $0xFFFF  }
0xaa: {  	[sflag:s0] =	ssyncadd.tile.s32 @!p0 $0x1;
	_ =	shalt  }
.Lfunc_end2:
_tile_overlayer_lowered:
.L_overlay_start_2:
0xab: {  	(tag) =	ssettag $0x2  }
0xac: {  	s0 =	rddreg [dreg:$0x0];
	s2 =	stileid.u32  }
0xad: {  	s1 =	rddreg [dreg:$0x1];
	p0 =	sne.s32 s2, $0x0  }
0xae: {  	s3 =	rddreg [dreg:$0x2];
	[bflag:$0x3] =	sbarrier.arrive $0xFFFF;
	s2 =	simm.s32 @!p0 $0x1C01  }
0xaf: {  	[timem:s3], [sflag:s2] =	dma.local @!p0 [hbm:s0], s1  }
0xb0: {  	s0 =	simm.s32 @!p0 $0x1  }
0xb1: {  	_ =	swait.ge @!p0 [sflag:s0], s1  }
0xb2: {  	s1 =	ssub.s32 @!p0 $0x0, s1;
	[sflag:s0] =	ssyncset.done @!p0 $0x0  }
0xb3: {  	[sflag:s0] =	ssyncadd.s32 @!p0 s1  }
0xb4: {  	[bflag:$0x3] =	sbarrier.arrive $0xFFFF  }
0xb5: {  	_ =	shalt  }

</sc_bundles>
